<compile_context>
chip_gen: v7x
topology: tpu7x:2x2x1
jax: 0.10.2.dev20260603
libtpu: 0.0.44.dev20260713+nightly
codegen_flags: <defaults>
</compile_context>

<pallas_src>
import functools

import jax
import jax.numpy as jnp
from jax import lax
from jax.experimental import pallas as pl
from jax.experimental.pallas import tpu as pltpu
from jax.experimental.pallas import tpu_sc as plsc

VOCAB = 100000
ENC_DIMS = 64
PACK_ROWS = 51200
PRIOR_DIM = 128
BATCH = 16384


_PACK_COLS = 10240


def _pack_body(left_ref, right_ref, o_ref):
    both = jnp.concatenate([left_ref[...], right_ref[...]], axis=0)
    o_ref[...] = both.T


def _pack_base(base_emb):
    bt = base_emb.T
    grid = (PACK_ROWS // _PACK_COLS,)
    shift = PACK_ROWS // _PACK_COLS
    return pl.pallas_call(
        _pack_body,
        grid=grid,
        in_specs=[
            pl.BlockSpec((ENC_DIMS, _PACK_COLS), lambda i: (0, i)),
            pl.BlockSpec(
                (ENC_DIMS, _PACK_COLS),
                lambda i: (0, jnp.minimum(i + shift, (VOCAB - 1) // _PACK_COLS)),
            ),
        ],
        out_specs=pl.BlockSpec((_PACK_COLS, 2 * ENC_DIMS), lambda i: (i, 0)),
        out_shape=jax.ShapeDtypeStruct((PACK_ROWS, 2 * ENC_DIMS), jnp.float32),
    )(bt, bt)



_GATHER_WINDOW = 128
_SC_LANES = 16


def _sc_gather(packed64, prior_matrix, idx3):
    n = idx3.shape[0] * idx3.shape[1]
    nw = idx3.shape[0]
    mesh = plsc.VectorSubcoreMesh(core_axis_name="core", subcore_axis_name="subcore")
    WPT = 4

    scratch = [
        pltpu.VMEM((WPT, _GATHER_WINDOW), jnp.int32),
        pltpu.VMEM((WPT, _GATHER_WINDOW), jnp.int32),
    ]
    scratch += [pltpu.VMEM((_GATHER_WINDOW, PRIOR_DIM), jnp.float32) for _ in range(WPT)]
    scratch += [pltpu.VMEM((_GATHER_WINDOW, ENC_DIMS), jnp.float32) for _ in range(WPT)]
    scratch += [pltpu.SemaphoreType.DMA for _ in range(4 * WPT)]

    @functools.partial(
        pl.kernel,
        out_type=(
            jax.ShapeDtypeStruct((n, 2 * ENC_DIMS), jnp.float32),
            jax.ShapeDtypeStruct((n, PRIOR_DIM), jnp.float32),
        ),
        mesh=mesh,
        scratch_types=scratch,
        compiler_params=pltpu.CompilerParams(use_tc_tiling_on_sc=False),
    )
    def gather_kernel(base_hbm, prior_hbm, i_hbm, base_out_hbm, prior_out_hbm,
                      idx_v, tidx_v, *bufs_and_sems):
        pbuf = bufs_and_sems[:WPT]
        bbuf = bufs_and_sems[WPT:2 * WPT]
        sems = bufs_and_sems[2 * WPT:]
        gp_sem, gb_sem = sems[:WPT], sems[WPT:2 * WPT]
        op_sem, ob_sem = sems[2 * WPT:3 * WPT], sems[3 * WPT:]

        wid = lax.axis_index("core") * 16 + lax.axis_index("subcore")
        w0 = wid * WPT

        pltpu.sync_copy(i_hbm.at[pl.ds(w0, WPT)], idx_v)

        for j in range(WPT):
            @pl.loop(0, _GATHER_WINDOW, step=_SC_LANES)
            def _(k, j=j):
                v = idx_v[j, pl.ds(k, _SC_LANES)]
                hi = jnp.where(v >= PACK_ROWS, 1, 0)
                tidx_v[j, pl.ds(k, _SC_LANES)] = 2 * (v - PACK_ROWS * hi) + hi

        gp = [pltpu.async_copy(prior_hbm.at[idx_v.at[j]], pbuf[j], gp_sem[j])
              for j in range(WPT)]
        gb = [pltpu.async_copy(base_hbm.at[tidx_v.at[j]], bbuf[j], gb_sem[j])
              for j in range(WPT)]

        op, ob = [], []
        for j in range(WPT):
            row = (w0 + j) * _GATHER_WINDOW
            gp[j].wait()
            op.append(pltpu.async_copy(
                pbuf[j], prior_out_hbm.at[pl.ds(row, _GATHER_WINDOW)], op_sem[j]))
            gb[j].wait()
            ob.append(pltpu.async_copy(
                bbuf[j],
                base_out_hbm.at[pl.ds(row, _GATHER_WINDOW), pl.ds(0, ENC_DIMS)],
                ob_sem[j]))
        for j in range(WPT):
            op[j].wait()
            ob[j].wait()

    return gather_kernel(packed64, prior_matrix, idx3)



_TC_BLOCK = 4096


def _tc_body(base_ref, prior_ref, w_ref, b_ref, gamma_ref, beta_ref, o_ref):
    prior = jnp.dot(prior_ref[...], w_ref[...], preferred_element_type=jnp.float32)
    h = base_ref[:, :ENC_DIMS] + prior + b_ref[...]
    mu = jnp.mean(h, axis=-1, keepdims=True)
    d = h - mu
    var = jnp.mean(d * d, axis=-1, keepdims=True)
    o_ref[...] = (gamma_ref[...] * (d * lax.rsqrt(var + 1e-5)) + beta_ref[...]).T


def _tc_fuse(base_staged, prior_g, W, b, gamma, beta):
    n = prior_g.shape[0]
    grid = (n // _TC_BLOCK,)
    out_t = pl.pallas_call(
        _tc_body,
        grid=grid,
        in_specs=[
            pl.BlockSpec((_TC_BLOCK, 2 * ENC_DIMS), lambda i: (i, 0)),
            pl.BlockSpec((_TC_BLOCK, PRIOR_DIM), lambda i: (i, 0)),
            pl.BlockSpec((PRIOR_DIM, ENC_DIMS), lambda i: (0, 0)),
            pl.BlockSpec((1, ENC_DIMS), lambda i: (0, 0)),
            pl.BlockSpec((1, ENC_DIMS), lambda i: (0, 0)),
            pl.BlockSpec((1, ENC_DIMS), lambda i: (0, 0)),
        ],
        out_specs=pl.BlockSpec((ENC_DIMS, _TC_BLOCK), lambda i: (0, i)),
        out_shape=jax.ShapeDtypeStruct((ENC_DIMS, n), jnp.float32),
    )(base_staged, prior_g, W, b.reshape(1, -1), gamma.reshape(1, -1), beta.reshape(1, -1))
    return out_t.T


def kernel(base_emb, prior_matrix, W, b, gamma, beta, idx):
    idx3 = idx.reshape(BATCH // _GATHER_WINDOW, _GATHER_WINDOW)
    packed = _pack_base(base_emb)
    packed64 = packed.reshape(2 * PACK_ROWS, ENC_DIMS)
    base_staged, prior_g = _sc_gather(packed64, prior_matrix, idx3)
    return _tc_fuse(base_staged, prior_g, W, b, gamma, beta)

# --- scband reference (transcript-rebuilt; emitter-appended) ---
"""Pipeline reference for scband-prior-augmented-embedding-14851996909768 (READ-ONLY COPY).

The authoritative reference and input builder live on the scoring server;
editing this copy changes nothing except your own understanding.
"""

import jax, jax.numpy as jnp
import numpy as np

VOCAB = 100000
ENC_DIMS = 64
PRIOR_DIM = 128
BATCH = 16384

def setup_inputs(seed: int = 0) -> dict:
    key = jax.random.key(seed)
    k1, k2, k3, k4, k5 = jax.random.split(key, 5)
    base_emb = jax.random.normal(k1, (VOCAB, ENC_DIMS), dtype=jnp.float32) * 0.02
    prior_matrix = jax.random.normal(k2, (VOCAB, PRIOR_DIM), dtype=jnp.float32)
    # prior_proj: nn.Linear(PRIOR_DIM, ENC_DIMS)
    W = jax.random.normal(k3, (PRIOR_DIM, ENC_DIMS), dtype=jnp.float32) * (1.0 / np.sqrt(PRIOR_DIM))
    b = jnp.zeros((ENC_DIMS,), dtype=jnp.float32)
    # LayerNorm params
    gamma = jnp.ones((ENC_DIMS,), dtype=jnp.float32)
    beta = jnp.zeros((ENC_DIMS,), dtype=jnp.float32)
    idx = jax.random.randint(k4, (BATCH,), 0, VOCAB, dtype=jnp.int64 if jax.config.jax_enable_x64 else jnp.int32).astype(jnp.int32)
    return {"base_emb": base_emb, "prior_matrix": prior_matrix, "W": W, "b": b, "gamma": gamma, "beta": beta, "idx": idx}

def reference(base_emb, prior_matrix, W, b, gamma, beta, idx):
    # base = self.base_emb[idx]  (gather)
    base = jnp.take(base_emb, idx, axis=0)
    # prior = self.prior_proj(self.prior_matrix[idx])  (gather + linear)
    prior_rows = jnp.take(prior_matrix, idx, axis=0)
    prior = prior_rows @ W + b
    # self.ln(base + prior)
    h = base + prior
    mu = jnp.mean(h, axis=-1, keepdims=True)
    var = jnp.var(h, axis=-1, keepdims=True)
    norm = (h - mu) / jnp.sqrt(var + 1e-5)
    return gamma * norm + beta

if __name__ == "__main__":
    import jax
    _d = setup_inputs()
    print(jax.jit(kernel)(*tuple(_d.values())))

</pallas_src>

<mosaic_0001>
#map = affine_map<(d0, d1) -> (0, 0)>
module attributes {stable_mosaic.version = 14 : i64} {
  func.func @gather_kernel(%arg0: i32, %arg1: i32, %arg2: memref<102400x64xf32, #tpu.memory_space<hbm>>, %arg3: memref<100000x128xf32, #tpu.memory_space<hbm>>, %arg4: memref<128x128xi32, #tpu.memory_space<hbm>>, %arg5: memref<16384x128xf32, #tpu.memory_space<hbm>>, %arg6: memref<16384x128xf32, #tpu.memory_space<hbm>>, %arg7: memref<4x128xi32, #tpu.memory_space<vmem>>, %arg8: memref<4x128xi32, #tpu.memory_space<vmem>>, %arg9: memref<128x128xf32, #tpu.memory_space<vmem>>, %arg10: memref<128x128xf32, #tpu.memory_space<vmem>>, %arg11: memref<128x128xf32, #tpu.memory_space<vmem>>, %arg12: memref<128x128xf32, #tpu.memory_space<vmem>>, %arg13: memref<128x64xf32, #tpu.memory_space<vmem>>, %arg14: memref<128x64xf32, #tpu.memory_space<vmem>>, %arg15: memref<128x64xf32, #tpu.memory_space<vmem>>, %arg16: memref<128x64xf32, #tpu.memory_space<vmem>>, %arg17: memref<!tpu.dma_semaphore, #tpu.memory_space<semaphore_mem>>, %arg18: memref<!tpu.dma_semaphore, #tpu.memory_space<semaphore_mem>>, %arg19: memref<!tpu.dma_semaphore, #tpu.memory_space<semaphore_mem>>, %arg20: memref<!tpu.dma_semaphore, #tpu.memory_space<semaphore_mem>>, %arg21: memref<!tpu.dma_semaphore, #tpu.memory_space<semaphore_mem>>, %arg22: memref<!tpu.dma_semaphore, #tpu.memory_space<semaphore_mem>>, %arg23: memref<!tpu.dma_semaphore, #tpu.memory_space<semaphore_mem>>, %arg24: memref<!tpu.dma_semaphore, #tpu.memory_space<semaphore_mem>>, %arg25: memref<!tpu.dma_semaphore, #tpu.memory_space<semaphore_mem>>, %arg26: memref<!tpu.dma_semaphore, #tpu.memory_space<semaphore_mem>>, %arg27: memref<!tpu.dma_semaphore, #tpu.memory_space<semaphore_mem>>, %arg28: memref<!tpu.dma_semaphore, #tpu.memory_space<semaphore_mem>>, %arg29: memref<!tpu.dma_semaphore, #tpu.memory_space<semaphore_mem>>, %arg30: memref<!tpu.dma_semaphore, #tpu.memory_space<semaphore_mem>>, %arg31: memref<!tpu.dma_semaphore, #tpu.memory_space<semaphore_mem>>, %arg32: memref<!tpu.dma_semaphore, #tpu.memory_space<semaphore_mem>>) attributes {dimension_semantics = [#tpu.dimension_semantics<core_parallel>, #tpu.dimension_semantics<subcore_parallel>], iteration_bounds = array<i64: 2, 16>, scalar_prefetch = 0 : i64, scratch_operands = 26 : i64, tpu.core_type = #tpu.core_type<sc_vector_subcore>, window_params = [{transform_indices = #map}, {transform_indices = #map}, {transform_indices = #map}, {transform_indices = #map}, {transform_indices = #map}]} {
    %mul3A = arith.constant 16 : i32
    %mul3A_0 = arith.muli %arg0, %mul3A : i32
    %add3A = arith.addi %mul3A_0, %arg1 : i32
    %mul3A_1 = arith.constant 4 : i32
    %mul3A_2 = arith.muli %add3A, %mul3A_1 : i32
    "tpu.region"() ({
      %run_scoped3A = tpu.sem_alloc : memref<!tpu.dma_semaphore, #tpu.memory_space<semaphore_mem>>
      %dma_start3A_212 = arith.constant 0 : i32
      %dma_start3A_213 = tpu.memref_slice %arg4[%mul3A_2, %dma_start3A_212] : memref<128x128xi32, #tpu.memory_space<hbm>> -> memref<4x128xi32, #tpu.memory_space<hbm>>
      %dma_start3A_214 = arith.constant 0 : i32
      %dma_start3A_215 = tpu.memref_slice %arg4[%mul3A_2, %dma_start3A_214] : memref<128x128xi32, #tpu.memory_space<hbm>> -> memref<4x128xi32, #tpu.memory_space<hbm>>
      tpu.enqueue_dma source(%dma_start3A_215 : memref<4x128xi32, #tpu.memory_space<hbm>>) target(%arg7 : memref<4x128xi32, #tpu.memory_space<vmem>>) target_semaphore(%run_scoped3A : memref<!tpu.dma_semaphore, #tpu.memory_space<semaphore_mem>>)
      %dma_wait3A_216 = arith.constant 0 : i32
      %dma_wait3A_217 = tpu.memref_slice %arg4[%mul3A_2, %dma_wait3A_216] : memref<128x128xi32, #tpu.memory_space<hbm>> -> memref<4x128xi32, #tpu.memory_space<hbm>>
      %dma_wait3A_218 = arith.constant 0 : i32
      %dma_wait3A_219 = tpu.memref_slice %arg4[%mul3A_2, %dma_wait3A_218] : memref<128x128xi32, #tpu.memory_space<hbm>> -> memref<4x128xi32, #tpu.memory_space<hbm>>
      tpu.wait_dma2 semaphore(%run_scoped3A : memref<!tpu.dma_semaphore, #tpu.memory_space<semaphore_mem>>) src(%dma_wait3A_219 : memref<4x128xi32, #tpu.memory_space<hbm>>) dst(%arg7 : memref<4x128xi32, #tpu.memory_space<vmem>>)
      tpu.yield
    }) : () -> ()
    %scan3A = arith.constant 0 : i32
    %scan3A_3 = arith.constant 8 : i32
    %scan3A_4 = arith.addi %scan3A, %scan3A_3 : i32
    %scan3A_5 = arith.constant 1 : i32
    scf.for %scan3A_212 = %scan3A to %scan3A_4 step %scan3A_5  : i32 {
      %mul3A_213 = arith.constant 16 : i32
      %mul3A_214 = arith.muli %scan3A_212, %mul3A_213 : i32
      %add3A_215 = arith.constant 0 : i32
      %add3A_216 = arith.addi %add3A_215, %mul3A_214 : i32
      %get3A = arith.constant 0 : i32
      %get3A_217 = arith.index_cast %get3A : i32 to index
      %get3A_218 = arith.index_cast %add3A_216 : i32 to index
      %get3A_219 = tpu.vector_load %arg7[%get3A_217, %get3A_218] {strides = array<i32>} : memref<4x128xi32, #tpu.memory_space<vmem>>, vector<1x16xi32>,
      %get3A_220 = vector.shape_cast %get3A_219 : vector<1x16xi32> to vector<16xi32>
      %ge3A = arith.constant 51200 : i32
      %ge3A_221 = vector.broadcast %ge3A : i32 to vector<16xi32>
      %ge3A_222 = arith.cmpi sge, %get3A_220, %ge3A_221 : vector<16xi32>
      %jit3A = arith.constant 1 : i32
      %jit3A_223 = arith.constant 0 : i32
      %broadcast_in_dim3A = vector.broadcast %jit3A : i32 to vector<16xi32>
      %broadcast_in_dim3A_224 = vector.broadcast %jit3A_223 : i32 to vector<16xi32>
      %select_n3A = arith.select %ge3A_222, %broadcast_in_dim3A, %broadcast_in_dim3A_224 : vector<16xi1>, vector<16xi32>
      %mul3A_225 = arith.constant 51200 : i32
      %mul3A_226 = vector.broadcast %mul3A_225 : i32 to vector<16xi32>
      %mul3A_227 = arith.muli %mul3A_226, %select_n3A : vector<16xi32>
      %sub3A = arith.subi %get3A_220, %mul3A_227 : vector<16xi32>
      %mul3A_228 = arith.constant 2 : i32
      %mul3A_229 = vector.broadcast %mul3A_228 : i32 to vector<16xi32>
      %mul3A_230 = arith.muli %mul3A_229, %sub3A : vector<16xi32>
      %add3A_231 = arith.addi %mul3A_230, %select_n3A : vector<16xi32>
      %swap3A = arith.constant 0 : i32
      %swap3A_232 = arith.index_cast %swap3A : i32 to index
      %swap3A_233 = arith.index_cast %add3A_216 : i32 to index
      %swap3A_234 = tpu.vector_load %arg8[%swap3A_232, %swap3A_233] {strides = array<i32>} : memref<4x128xi32, #tpu.memory_space<vmem>>, vector<1x16xi32>,
      %swap3A_235 = vector.shape_cast %swap3A_234 : vector<1x16xi32> to vector<16xi32>
      %swap3A_236 = vector.shape_cast %add3A_231 : vector<16xi32> to vector<1x16xi32>
      tpu.vector_store %arg8[%swap3A_232, %swap3A_233], %swap3A_236 {strides = array<i32>} : memref<4x128xi32, #tpu.memory_space<vmem>>, vector<1x16xi32>,
    }
    %scan3A_6 = arith.constant 8 : i32
    %scan3A_7 = arith.constant 0 : i32
    %scan3A_8 = arith.constant 8 : i32
    %scan3A_9 = arith.addi %scan3A_7, %scan3A_8 : i32
    %scan3A_10 = arith.constant 1 : i32
    scf.for %scan3A_212 = %scan3A_7 to %scan3A_9 step %scan3A_10  : i32 {
      %mul3A_213 = arith.constant 16 : i32
      %mul3A_214 = arith.muli %scan3A_212, %mul3A_213 : i32
      %add3A_215 = arith.constant 0 : i32
      %add3A_216 = arith.addi %add3A_215, %mul3A_214 : i32
      %get3A = arith.constant 1 : i32
      %get3A_217 = arith.index_cast %get3A : i32 to index
      %get3A_218 = arith.index_cast %add3A_216 : i32 to index
      %get3A_219 = tpu.vector_load %arg7[%get3A_217, %get3A_218] {strides = array<i32>} : memref<4x128xi32, #tpu.memory_space<vmem>>, vector<1x16xi32>,
      %get3A_220 = vector.shape_cast %get3A_219 : vector<1x16xi32> to vector<16xi32>
      %ge3A = arith.constant 51200 : i32
      %ge3A_221 = vector.broadcast %ge3A : i32 to vector<16xi32>
      %ge3A_222 = arith.cmpi sge, %get3A_220, %ge3A_221 : vector<16xi32>
      %jit3A = arith.constant 1 : i32
      %jit3A_223 = arith.constant 0 : i32
      %broadcast_in_dim3A = vector.broadcast %jit3A : i32 to vector<16xi32>
      %broadcast_in_dim3A_224 = vector.broadcast %jit3A_223 : i32 to vector<16xi32>
      %select_n3A = arith.select %ge3A_222, %broadcast_in_dim3A, %broadcast_in_dim3A_224 : vector<16xi1>, vector<16xi32>
      %mul3A_225 = arith.constant 51200 : i32
      %mul3A_226 = vector.broadcast %mul3A_225 : i32 to vector<16xi32>
      %mul3A_227 = arith.muli %mul3A_226, %select_n3A : vector<16xi32>
      %sub3A = arith.subi %get3A_220, %mul3A_227 : vector<16xi32>
      %mul3A_228 = arith.constant 2 : i32
      %mul3A_229 = vector.broadcast %mul3A_228 : i32 to vector<16xi32>
      %mul3A_230 = arith.muli %mul3A_229, %sub3A : vector<16xi32>
      %add3A_231 = arith.addi %mul3A_230, %select_n3A : vector<16xi32>
      %swap3A = arith.constant 1 : i32
      %swap3A_232 = arith.index_cast %swap3A : i32 to index
      %swap3A_233 = arith.index_cast %add3A_216 : i32 to index
      %swap3A_234 = tpu.vector_load %arg8[%swap3A_232, %swap3A_233] {strides = array<i32>} : memref<4x128xi32, #tpu.memory_space<vmem>>, vector<1x16xi32>,
      %swap3A_235 = vector.shape_cast %swap3A_234 : vector<1x16xi32> to vector<16xi32>
      %swap3A_236 = vector.shape_cast %add3A_231 : vector<16xi32> to vector<1x16xi32>
      tpu.vector_store %arg8[%swap3A_232, %swap3A_233], %swap3A_236 {strides = array<i32>} : memref<4x128xi32, #tpu.memory_space<vmem>>, vector<1x16xi32>,
    }
    %scan3A_11 = arith.constant 8 : i32
    %scan3A_12 = arith.constant 0 : i32
    %scan3A_13 = arith.constant 8 : i32
    %scan3A_14 = arith.addi %scan3A_12, %scan3A_13 : i32
    %scan3A_15 = arith.constant 1 : i32
    scf.for %scan3A_212 = %scan3A_12 to %scan3A_14 step %scan3A_15  : i32 {
      %mul3A_213 = arith.constant 16 : i32
      %mul3A_214 = arith.muli %scan3A_212, %mul3A_213 : i32
      %add3A_215 = arith.constant 0 : i32
      %add3A_216 = arith.addi %add3A_215, %mul3A_214 : i32
      %get3A = arith.constant 2 : i32
      %get3A_217 = arith.index_cast %get3A : i32 to index
      %get3A_218 = arith.index_cast %add3A_216 : i32 to index
      %get3A_219 = tpu.vector_load %arg7[%get3A_217, %get3A_218] {strides = array<i32>} : memref<4x128xi32, #tpu.memory_space<vmem>>, vector<1x16xi32>,
      %get3A_220 = vector.shape_cast %get3A_219 : vector<1x16xi32> to vector<16xi32>
      %ge3A = arith.constant 51200 : i32
      %ge3A_221 = vector.broadcast %ge3A : i32 to vector<16xi32>
      %ge3A_222 = arith.cmpi sge, %get3A_220, %ge3A_221 : vector<16xi32>
      %jit3A = arith.constant 1 : i32
      %jit3A_223 = arith.constant 0 : i32
      %broadcast_in_dim3A = vector.broadcast %jit3A : i32 to vector<16xi32>
      %broadcast_in_dim3A_224 = vector.broadcast %jit3A_223 : i32 to vector<16xi32>
      %select_n3A = arith.select %ge3A_222, %broadcast_in_dim3A, %broadcast_in_dim3A_224 : vector<16xi1>, vector<16xi32>
      %mul3A_225 = arith.constant 51200 : i32
      %mul3A_226 = vector.broadcast %mul3A_225 : i32 to vector<16xi32>
      %mul3A_227 = arith.muli %mul3A_226, %select_n3A : vector<16xi32>
      %sub3A = arith.subi %get3A_220, %mul3A_227 : vector<16xi32>
      %mul3A_228 = arith.constant 2 : i32
      %mul3A_229 = vector.broadcast %mul3A_228 : i32 to vector<16xi32>
      %mul3A_230 = arith.muli %mul3A_229, %sub3A : vector<16xi32>
      %add3A_231 = arith.addi %mul3A_230, %select_n3A : vector<16xi32>
      %swap3A = arith.constant 2 : i32
      %swap3A_232 = arith.index_cast %swap3A : i32 to index
      %swap3A_233 = arith.index_cast %add3A_216 : i32 to index
      %swap3A_234 = tpu.vector_load %arg8[%swap3A_232, %swap3A_233] {strides = array<i32>} : memref<4x128xi32, #tpu.memory_space<vmem>>, vector<1x16xi32>,
      %swap3A_235 = vector.shape_cast %swap3A_234 : vector<1x16xi32> to vector<16xi32>
      %swap3A_236 = vector.shape_cast %add3A_231 : vector<16xi32> to vector<1x16xi32>
      tpu.vector_store %arg8[%swap3A_232, %swap3A_233], %swap3A_236 {strides = array<i32>} : memref<4x128xi32, #tpu.memory_space<vmem>>, vector<1x16xi32>,
    }
    %scan3A_16 = arith.constant 8 : i32
    %scan3A_17 = arith.constant 0 : i32
    %scan3A_18 = arith.constant 8 : i32
    %scan3A_19 = arith.addi %scan3A_17, %scan3A_18 : i32
    %scan3A_20 = arith.constant 1 : i32
    scf.for %scan3A_212 = %scan3A_17 to %scan3A_19 step %scan3A_20  : i32 {
      %mul3A_213 = arith.constant 16 : i32
      %mul3A_214 = arith.muli %scan3A_212, %mul3A_213 : i32
      %add3A_215 = arith.constant 0 : i32
      %add3A_216 = arith.addi %add3A_215, %mul3A_214 : i32
      %get3A = arith.constant 3 : i32
      %get3A_217 = arith.index_cast %get3A : i32 to index
      %get3A_218 = arith.index_cast %add3A_216 : i32 to index
      %get3A_219 = tpu.vector_load %arg7[%get3A_217, %get3A_218] {strides = array<i32>} : memref<4x128xi32, #tpu.memory_space<vmem>>, vector<1x16xi32>,
      %get3A_220 = vector.shape_cast %get3A_219 : vector<1x16xi32> to vector<16xi32>
      %ge3A = arith.constant 51200 : i32
      %ge3A_221 = vector.broadcast %ge3A : i32 to vector<16xi32>
      %ge3A_222 = arith.cmpi sge, %get3A_220, %ge3A_221 : vector<16xi32>
      %jit3A = arith.constant 1 : i32
      %jit3A_223 = arith.constant 0 : i32
      %broadcast_in_dim3A = vector.broadcast %jit3A : i32 to vector<16xi32>
      %broadcast_in_dim3A_224 = vector.broadcast %jit3A_223 : i32 to vector<16xi32>
      %select_n3A = arith.select %ge3A_222, %broadcast_in_dim3A, %broadcast_in_dim3A_224 : vector<16xi1>, vector<16xi32>
      %mul3A_225 = arith.constant 51200 : i32
      %mul3A_226 = vector.broadcast %mul3A_225 : i32 to vector<16xi32>
      %mul3A_227 = arith.muli %mul3A_226, %select_n3A : vector<16xi32>
      %sub3A = arith.subi %get3A_220, %mul3A_227 : vector<16xi32>
      %mul3A_228 = arith.constant 2 : i32
      %mul3A_229 = vector.broadcast %mul3A_228 : i32 to vector<16xi32>
      %mul3A_230 = arith.muli %mul3A_229, %sub3A : vector<16xi32>
      %add3A_231 = arith.addi %mul3A_230, %select_n3A : vector<16xi32>
      %swap3A = arith.constant 3 : i32
      %swap3A_232 = arith.index_cast %swap3A : i32 to index
      %swap3A_233 = arith.index_cast %add3A_216 : i32 to index
      %swap3A_234 = tpu.vector_load %arg8[%swap3A_232, %swap3A_233] {strides = array<i32>} : memref<4x128xi32, #tpu.memory_space<vmem>>, vector<1x16xi32>,
      %swap3A_235 = vector.shape_cast %swap3A_234 : vector<1x16xi32> to vector<16xi32>
      %swap3A_236 = vector.shape_cast %add3A_231 : vector<16xi32> to vector<1x16xi32>
      tpu.vector_store %arg8[%swap3A_232, %swap3A_233], %swap3A_236 {strides = array<i32>} : memref<4x128xi32, #tpu.memory_space<vmem>>, vector<1x16xi32>,
    }
    %scan3A_21 = arith.constant 8 : i32
    %dma_start3A = arith.constant 0 : i32
    %dma_start3A_22 = arith.constant 0 : i32
    %dma_start3A_23 = tpu.memref_slice %arg7[%dma_start3A, %dma_start3A_22] : memref<4x128xi32, #tpu.memory_space<vmem>> -> memref<1x128xi32, #tpu.memory_space<vmem>>
    %dma_start3A_24 = tpu.memref_squeeze %dma_start3A_23 : memref<1x128xi32, #tpu.memory_space<vmem>> -> memref<128xi32, #tpu.memory_space<vmem>>
    %dma_start3A_25 = arith.constant 0 : i32
    %dma_start3A_26 = arith.constant 0 : i32
    %dma_start3A_27 = tpu.memref_slice %arg3[%dma_start3A_25, %dma_start3A_26] : memref<100000x128xf32, #tpu.memory_space<hbm>> -> memref<100000x128xf32, #tpu.memory_space<hbm>>
    tpu.enqueue_indirect_dma source(%dma_start3A_27 : memref<100000x128xf32, #tpu.memory_space<hbm>>) target(%arg9 : memref<128x128xf32, #tpu.memory_space<vmem>>) offsets(%dma_start3A_24 : memref<128xi32, #tpu.memory_space<vmem>>) semaphore(%arg17 : memref<!tpu.dma_semaphore, #tpu.memory_space<semaphore_mem>>)
    %dma_start3A_28 = arith.constant 1 : i32
    %dma_start3A_29 = arith.constant 0 : i32
    %dma_start3A_30 = tpu.memref_slice %arg7[%dma_start3A_28, %dma_start3A_29] : memref<4x128xi32, #tpu.memory_space<vmem>> -> memref<1x128xi32, #tpu.memory_space<vmem>>
    %dma_start3A_31 = tpu.memref_squeeze %dma_start3A_30 : memref<1x128xi32, #tpu.memory_space<vmem>> -> memref<128xi32, #tpu.memory_space<vmem>>
    %dma_start3A_32 = arith.constant 0 : i32
    %dma_start3A_33 = arith.constant 0 : i32
    %dma_start3A_34 = tpu.memref_slice %arg3[%dma_start3A_32, %dma_start3A_33] : memref<100000x128xf32, #tpu.memory_space<hbm>> -> memref<100000x128xf32, #tpu.memory_space<hbm>>
    tpu.enqueue_indirect_dma source(%dma_start3A_34 : memref<100000x128xf32, #tpu.memory_space<hbm>>) target(%arg10 : memref<128x128xf32, #tpu.memory_space<vmem>>) offsets(%dma_start3A_31 : memref<128xi32, #tpu.memory_space<vmem>>) semaphore(%arg18 : memref<!tpu.dma_semaphore, #tpu.memory_space<semaphore_mem>>)
    %dma_start3A_35 = arith.constant 2 : i32
    %dma_start3A_36 = arith.constant 0 : i32
    %dma_start3A_37 = tpu.memref_slice %arg7[%dma_start3A_35, %dma_start3A_36] : memref<4x128xi32, #tpu.memory_space<vmem>> -> memref<1x128xi32, #tpu.memory_space<vmem>>
    %dma_start3A_38 = tpu.memref_squeeze %dma_start3A_37 : memref<1x128xi32, #tpu.memory_space<vmem>> -> memref<128xi32, #tpu.memory_space<vmem>>
    %dma_start3A_39 = arith.constant 0 : i32
    %dma_start3A_40 = arith.constant 0 : i32
    %dma_start3A_41 = tpu.memref_slice %arg3[%dma_start3A_39, %dma_start3A_40] : memref<100000x128xf32, #tpu.memory_space<hbm>> -> memref<100000x128xf32, #tpu.memory_space<hbm>>
    tpu.enqueue_indirect_dma source(%dma_start3A_41 : memref<100000x128xf32, #tpu.memory_space<hbm>>) target(%arg11 : memref<128x128xf32, #tpu.memory_space<vmem>>) offsets(%dma_start3A_38 : memref<128xi32, #tpu.memory_space<vmem>>) semaphore(%arg19 : memref<!tpu.dma_semaphore, #tpu.memory_space<semaphore_mem>>)
    %dma_start3A_42 = arith.constant 3 : i32
    %dma_start3A_43 = arith.constant 0 : i32
    %dma_start3A_44 = tpu.memref_slice %arg7[%dma_start3A_42, %dma_start3A_43] : memref<4x128xi32, #tpu.memory_space<vmem>> -> memref<1x128xi32, #tpu.memory_space<vmem>>
    %dma_start3A_45 = tpu.memref_squeeze %dma_start3A_44 : memref<1x128xi32, #tpu.memory_space<vmem>> -> memref<128xi32, #tpu.memory_space<vmem>>
    %dma_start3A_46 = arith.constant 0 : i32
    %dma_start3A_47 = arith.constant 0 : i32
    %dma_start3A_48 = tpu.memref_slice %arg3[%dma_start3A_46, %dma_start3A_47] : memref<100000x128xf32, #tpu.memory_space<hbm>> -> memref<100000x128xf32, #tpu.memory_space<hbm>>
    tpu.enqueue_indirect_dma source(%dma_start3A_48 : memref<100000x128xf32, #tpu.memory_space<hbm>>) target(%arg12 : memref<128x128xf32, #tpu.memory_space<vmem>>) offsets(%dma_start3A_45 : memref<128xi32, #tpu.memory_space<vmem>>) semaphore(%arg20 : memref<!tpu.dma_semaphore, #tpu.memory_space<semaphore_mem>>)
    %dma_start3A_49 = arith.constant 0 : i32
    %dma_start3A_50 = arith.constant 0 : i32
    %dma_start3A_51 = tpu.memref_slice %arg8[%dma_start3A_49, %dma_start3A_50] : memref<4x128xi32, #tpu.memory_space<vmem>> -> memref<1x128xi32, #tpu.memory_space<vmem>>
    %dma_start3A_52 = tpu.memref_squeeze %dma_start3A_51 : memref<1x128xi32, #tpu.memory_space<vmem>> -> memref<128xi32, #tpu.memory_space<vmem>>
    %dma_start3A_53 = arith.constant 0 : i32
    %dma_start3A_54 = arith.constant 0 : i32
    %dma_start3A_55 = tpu.memref_slice %arg2[%dma_start3A_53, %dma_start3A_54] : memref<102400x64xf32, #tpu.memory_space<hbm>> -> memref<102400x64xf32, #tpu.memory_space<hbm>>
    tpu.enqueue_indirect_dma source(%dma_start3A_55 : memref<102400x64xf32, #tpu.memory_space<hbm>>) target(%arg13 : memref<128x64xf32, #tpu.memory_space<vmem>>) offsets(%dma_start3A_52 : memref<128xi32, #tpu.memory_space<vmem>>) semaphore(%arg21 : memref<!tpu.dma_semaphore, #tpu.memory_space<semaphore_mem>>)
    %dma_start3A_56 = arith.constant 1 : i32
    %dma_start3A_57 = arith.constant 0 : i32
    %dma_start3A_58 = tpu.memref_slice %arg8[%dma_start3A_56, %dma_start3A_57] : memref<4x128xi32, #tpu.memory_space<vmem>> -> memref<1x128xi32, #tpu.memory_space<vmem>>
    %dma_start3A_59 = tpu.memref_squeeze %dma_start3A_58 : memref<1x128xi32, #tpu.memory_space<vmem>> -> memref<128xi32, #tpu.memory_space<vmem>>
    %dma_start3A_60 = arith.constant 0 : i32
    %dma_start3A_61 = arith.constant 0 : i32
    %dma_start3A_62 = tpu.memref_slice %arg2[%dma_start3A_60, %dma_start3A_61] : memref<102400x64xf32, #tpu.memory_space<hbm>> -> memref<102400x64xf32, #tpu.memory_space<hbm>>
    tpu.enqueue_indirect_dma source(%dma_start3A_62 : memref<102400x64xf32, #tpu.memory_space<hbm>>) target(%arg14 : memref<128x64xf32, #tpu.memory_space<vmem>>) offsets(%dma_start3A_59 : memref<128xi32, #tpu.memory_space<vmem>>) semaphore(%arg22 : memref<!tpu.dma_semaphore, #tpu.memory_space<semaphore_mem>>)
    %dma_start3A_63 = arith.constant 2 : i32
    %dma_start3A_64 = arith.constant 0 : i32
    %dma_start3A_65 = tpu.memref_slice %arg8[%dma_start3A_63, %dma_start3A_64] : memref<4x128xi32, #tpu.memory_space<vmem>> -> memref<1x128xi32, #tpu.memory_space<vmem>>
    %dma_start3A_66 = tpu.memref_squeeze %dma_start3A_65 : memref<1x128xi32, #tpu.memory_space<vmem>> -> memref<128xi32, #tpu.memory_space<vmem>>
    %dma_start3A_67 = arith.constant 0 : i32
    %dma_start3A_68 = arith.constant 0 : i32
    %dma_start3A_69 = tpu.memref_slice %arg2[%dma_start3A_67, %dma_start3A_68] : memref<102400x64xf32, #tpu.memory_space<hbm>> -> memref<102400x64xf32, #tpu.memory_space<hbm>>
    tpu.enqueue_indirect_dma source(%dma_start3A_69 : memref<102400x64xf32, #tpu.memory_space<hbm>>) target(%arg15 : memref<128x64xf32, #tpu.memory_space<vmem>>) offsets(%dma_start3A_66 : memref<128xi32, #tpu.memory_space<vmem>>) semaphore(%arg23 : memref<!tpu.dma_semaphore, #tpu.memory_space<semaphore_mem>>)
    %dma_start3A_70 = arith.constant 3 : i32
    %dma_start3A_71 = arith.constant 0 : i32
    %dma_start3A_72 = tpu.memref_slice %arg8[%dma_start3A_70, %dma_start3A_71] : memref<4x128xi32, #tpu.memory_space<vmem>> -> memref<1x128xi32, #tpu.memory_space<vmem>>
    %dma_start3A_73 = tpu.memref_squeeze %dma_start3A_72 : memref<1x128xi32, #tpu.memory_space<vmem>> -> memref<128xi32, #tpu.memory_space<vmem>>
    %dma_start3A_74 = arith.constant 0 : i32
    %dma_start3A_75 = arith.constant 0 : i32
    %dma_start3A_76 = tpu.memref_slice %arg2[%dma_start3A_74, %dma_start3A_75] : memref<102400x64xf32, #tpu.memory_space<hbm>> -> memref<102400x64xf32, #tpu.memory_space<hbm>>
    tpu.enqueue_indirect_dma source(%dma_start3A_76 : memref<102400x64xf32, #tpu.memory_space<hbm>>) target(%arg16 : memref<128x64xf32, #tpu.memory_space<vmem>>) offsets(%dma_start3A_73 : memref<128xi32, #tpu.memory_space<vmem>>) semaphore(%arg24 : memref<!tpu.dma_semaphore, #tpu.memory_space<semaphore_mem>>)
    %add3A_77 = arith.constant 0 : i32
    %add3A_78 = arith.addi %mul3A_2, %add3A_77 : i32
    %mul3A_79 = arith.constant 128 : i32
    %mul3A_80 = arith.muli %add3A_78, %mul3A_79 : i32
    %dma_wait3A = arith.constant 0 : i32
    %dma_wait3A_81 = arith.constant 0 : i32
    %dma_wait3A_82 = tpu.memref_slice %arg7[%dma_wait3A, %dma_wait3A_81] : memref<4x128xi32, #tpu.memory_space<vmem>> -> memref<1x128xi32, #tpu.memory_space<vmem>>
    %dma_wait3A_83 = tpu.memref_squeeze %dma_wait3A_82 : memref<1x128xi32, #tpu.memory_space<vmem>> -> memref<128xi32, #tpu.memory_space<vmem>>
    %dma_wait3A_84 = arith.constant 0 : i32
    %dma_wait3A_85 = arith.constant 0 : i32
    %dma_wait3A_86 = tpu.memref_slice %arg3[%dma_wait3A_84, %dma_wait3A_85] : memref<100000x128xf32, #tpu.memory_space<hbm>> -> memref<100000x128xf32, #tpu.memory_space<hbm>>
    tpu.wait_indirect_dma semaphore(%arg17 : memref<!tpu.dma_semaphore, #tpu.memory_space<semaphore_mem>>) src(%dma_wait3A_86 : memref<100000x128xf32, #tpu.memory_space<hbm>>) dst(%arg9 : memref<128x128xf32, #tpu.memory_space<vmem>>)
    %dma_start3A_87 = arith.constant 0 : i32
    %dma_start3A_88 = tpu.memref_slice %arg6[%mul3A_80, %dma_start3A_87] : memref<16384x128xf32, #tpu.memory_space<hbm>> -> memref<128x128xf32, #tpu.memory_space<hbm>>
    %dma_start3A_89 = arith.constant 0 : i32
    %dma_start3A_90 = tpu.memref_slice %arg6[%mul3A_80, %dma_start3A_89] : memref<16384x128xf32, #tpu.memory_space<hbm>> -> memref<128x128xf32, #tpu.memory_space<hbm>>
    tpu.enqueue_dma source(%arg9 : memref<128x128xf32, #tpu.memory_space<vmem>>) target(%dma_start3A_90 : memref<128x128xf32, #tpu.memory_space<hbm>>) target_semaphore(%arg25 : memref<!tpu.dma_semaphore, #tpu.memory_space<semaphore_mem>>)
    %dma_wait3A_91 = arith.constant 0 : i32
    %dma_wait3A_92 = arith.constant 0 : i32
    %dma_wait3A_93 = tpu.memref_slice %arg8[%dma_wait3A_91, %dma_wait3A_92] : memref<4x128xi32, #tpu.memory_space<vmem>> -> memref<1x128xi32, #tpu.memory_space<vmem>>
    %dma_wait3A_94 = tpu.memref_squeeze %dma_wait3A_93 : memref<1x128xi32, #tpu.memory_space<vmem>> -> memref<128xi32, #tpu.memory_space<vmem>>
    %dma_wait3A_95 = arith.constant 0 : i32
    %dma_wait3A_96 = arith.constant 0 : i32
    %dma_wait3A_97 = tpu.memref_slice %arg2[%dma_wait3A_95, %dma_wait3A_96] : memref<102400x64xf32, #tpu.memory_space<hbm>> -> memref<102400x64xf32, #tpu.memory_space<hbm>>
    tpu.wait_indirect_dma semaphore(%arg21 : memref<!tpu.dma_semaphore, #tpu.memory_space<semaphore_mem>>) src(%dma_wait3A_97 : memref<102400x64xf32, #tpu.memory_space<hbm>>) dst(%arg13 : memref<128x64xf32, #tpu.memory_space<vmem>>)
    %dma_start3A_98 = arith.constant 0 : i32
    %dma_start3A_99 = tpu.memref_slice %arg5[%mul3A_80, %dma_start3A_98] : memref<16384x128xf32, #tpu.memory_space<hbm>> -> memref<128x64xf32, #tpu.memory_space<hbm>>
    %dma_start3A_100 = arith.constant 0 : i32
    %dma_start3A_101 = tpu.memref_slice %arg5[%mul3A_80, %dma_start3A_100] : memref<16384x128xf32, #tpu.memory_space<hbm>> -> memref<128x64xf32, #tpu.memory_space<hbm>>
    tpu.enqueue_dma source(%arg13 : memref<128x64xf32, #tpu.memory_space<vmem>>) target(%dma_start3A_101 : memref<128x64xf32, #tpu.memory_space<hbm>>) target_semaphore(%arg29 : memref<!tpu.dma_semaphore, #tpu.memory_space<semaphore_mem>>)
    %add3A_102 = arith.constant 1 : i32
    %add3A_103 = arith.addi %mul3A_2, %add3A_102 : i32
    %mul3A_104 = arith.constant 128 : i32
    %mul3A_105 = arith.muli %add3A_103, %mul3A_104 : i32
    %dma_wait3A_106 = arith.constant 1 : i32
    %dma_wait3A_107 = arith.constant 0 : i32
    %dma_wait3A_108 = tpu.memref_slice %arg7[%dma_wait3A_106, %dma_wait3A_107] : memref<4x128xi32, #tpu.memory_space<vmem>> -> memref<1x128xi32, #tpu.memory_space<vmem>>
    %dma_wait3A_109 = tpu.memref_squeeze %dma_wait3A_108 : memref<1x128xi32, #tpu.memory_space<vmem>> -> memref<128xi32, #tpu.memory_space<vmem>>
    %dma_wait3A_110 = arith.constant 0 : i32
    %dma_wait3A_111 = arith.constant 0 : i32
    %dma_wait3A_112 = tpu.memref_slice %arg3[%dma_wait3A_110, %dma_wait3A_111] : memref<100000x128xf32, #tpu.memory_space<hbm>> -> memref<100000x128xf32, #tpu.memory_space<hbm>>
    tpu.wait_indirect_dma semaphore(%arg18 : memref<!tpu.dma_semaphore, #tpu.memory_space<semaphore_mem>>) src(%dma_wait3A_112 : memref<100000x128xf32, #tpu.memory_space<hbm>>) dst(%arg10 : memref<128x128xf32, #tpu.memory_space<vmem>>)
    %dma_start3A_113 = arith.constant 0 : i32
    %dma_start3A_114 = tpu.memref_slice %arg6[%mul3A_105, %dma_start3A_113] : memref<16384x128xf32, #tpu.memory_space<hbm>> -> memref<128x128xf32, #tpu.memory_space<hbm>>
    %dma_start3A_115 = arith.constant 0 : i32
    %dma_start3A_116 = tpu.memref_slice %arg6[%mul3A_105, %dma_start3A_115] : memref<16384x128xf32, #tpu.memory_space<hbm>> -> memref<128x128xf32, #tpu.memory_space<hbm>>
    tpu.enqueue_dma source(%arg10 : memref<128x128xf32, #tpu.memory_space<vmem>>) target(%dma_start3A_116 : memref<128x128xf32, #tpu.memory_space<hbm>>) target_semaphore(%arg26 : memref<!tpu.dma_semaphore, #tpu.memory_space<semaphore_mem>>)
    %dma_wait3A_117 = arith.constant 1 : i32
    %dma_wait3A_118 = arith.constant 0 : i32
    %dma_wait3A_119 = tpu.memref_slice %arg8[%dma_wait3A_117, %dma_wait3A_118] : memref<4x128xi32, #tpu.memory_space<vmem>> -> memref<1x128xi32, #tpu.memory_space<vmem>>
    %dma_wait3A_120 = tpu.memref_squeeze %dma_wait3A_119 : memref<1x128xi32, #tpu.memory_space<vmem>> -> memref<128xi32, #tpu.memory_space<vmem>>
    %dma_wait3A_121 = arith.constant 0 : i32
    %dma_wait3A_122 = arith.constant 0 : i32
    %dma_wait3A_123 = tpu.memref_slice %arg2[%dma_wait3A_121, %dma_wait3A_122] : memref<102400x64xf32, #tpu.memory_space<hbm>> -> memref<102400x64xf32, #tpu.memory_space<hbm>>
    tpu.wait_indirect_dma semaphore(%arg22 : memref<!tpu.dma_semaphore, #tpu.memory_space<semaphore_mem>>) src(%dma_wait3A_123 : memref<102400x64xf32, #tpu.memory_space<hbm>>) dst(%arg14 : memref<128x64xf32, #tpu.memory_space<vmem>>)
    %dma_start3A_124 = arith.constant 0 : i32
    %dma_start3A_125 = tpu.memref_slice %arg5[%mul3A_105, %dma_start3A_124] : memref<16384x128xf32, #tpu.memory_space<hbm>> -> memref<128x64xf32, #tpu.memory_space<hbm>>
    %dma_start3A_126 = arith.constant 0 : i32
    %dma_start3A_127 = tpu.memref_slice %arg5[%mul3A_105, %dma_start3A_126] : memref<16384x128xf32, #tpu.memory_space<hbm>> -> memref<128x64xf32, #tpu.memory_space<hbm>>
    tpu.enqueue_dma source(%arg14 : memref<128x64xf32, #tpu.memory_space<vmem>>) target(%dma_start3A_127 : memref<128x64xf32, #tpu.memory_space<hbm>>) target_semaphore(%arg30 : memref<!tpu.dma_semaphore, #tpu.memory_space<semaphore_mem>>)
    %add3A_128 = arith.constant 2 : i32
    %add3A_129 = arith.addi %mul3A_2, %add3A_128 : i32
    %mul3A_130 = arith.constant 128 : i32
    %mul3A_131 = arith.muli %add3A_129, %mul3A_130 : i32
    %dma_wait3A_132 = arith.constant 2 : i32
    %dma_wait3A_133 = arith.constant 0 : i32
    %dma_wait3A_134 = tpu.memref_slice %arg7[%dma_wait3A_132, %dma_wait3A_133] : memref<4x128xi32, #tpu.memory_space<vmem>> -> memref<1x128xi32, #tpu.memory_space<vmem>>
    %dma_wait3A_135 = tpu.memref_squeeze %dma_wait3A_134 : memref<1x128xi32, #tpu.memory_space<vmem>> -> memref<128xi32, #tpu.memory_space<vmem>>
    %dma_wait3A_136 = arith.constant 0 : i32
    %dma_wait3A_137 = arith.constant 0 : i32
    %dma_wait3A_138 = tpu.memref_slice %arg3[%dma_wait3A_136, %dma_wait3A_137] : memref<100000x128xf32, #tpu.memory_space<hbm>> -> memref<100000x128xf32, #tpu.memory_space<hbm>>
    tpu.wait_indirect_dma semaphore(%arg19 : memref<!tpu.dma_semaphore, #tpu.memory_space<semaphore_mem>>) src(%dma_wait3A_138 : memref<100000x128xf32, #tpu.memory_space<hbm>>) dst(%arg11 : memref<128x128xf32, #tpu.memory_space<vmem>>)
    %dma_start3A_139 = arith.constant 0 : i32
    %dma_start3A_140 = tpu.memref_slice %arg6[%mul3A_131, %dma_start3A_139] : memref<16384x128xf32, #tpu.memory_space<hbm>> -> memref<128x128xf32, #tpu.memory_space<hbm>>
    %dma_start3A_141 = arith.constant 0 : i32
    %dma_start3A_142 = tpu.memref_slice %arg6[%mul3A_131, %dma_start3A_141] : memref<16384x128xf32, #tpu.memory_space<hbm>> -> memref<128x128xf32, #tpu.memory_space<hbm>>
    tpu.enqueue_dma source(%arg11 : memref<128x128xf32, #tpu.memory_space<vmem>>) target(%dma_start3A_142 : memref<128x128xf32, #tpu.memory_space<hbm>>) target_semaphore(%arg27 : memref<!tpu.dma_semaphore, #tpu.memory_space<semaphore_mem>>)
    %dma_wait3A_143 = arith.constant 2 : i32
    %dma_wait3A_144 = arith.constant 0 : i32
    %dma_wait3A_145 = tpu.memref_slice %arg8[%dma_wait3A_143, %dma_wait3A_144] : memref<4x128xi32, #tpu.memory_space<vmem>> -> memref<1x128xi32, #tpu.memory_space<vmem>>
    %dma_wait3A_146 = tpu.memref_squeeze %dma_wait3A_145 : memref<1x128xi32, #tpu.memory_space<vmem>> -> memref<128xi32, #tpu.memory_space<vmem>>
    %dma_wait3A_147 = arith.constant 0 : i32
    %dma_wait3A_148 = arith.constant 0 : i32
    %dma_wait3A_149 = tpu.memref_slice %arg2[%dma_wait3A_147, %dma_wait3A_148] : memref<102400x64xf32, #tpu.memory_space<hbm>> -> memref<102400x64xf32, #tpu.memory_space<hbm>>
    tpu.wait_indirect_dma semaphore(%arg23 : memref<!tpu.dma_semaphore, #tpu.memory_space<semaphore_mem>>) src(%dma_wait3A_149 : memref<102400x64xf32, #tpu.memory_space<hbm>>) dst(%arg15 : memref<128x64xf32, #tpu.memory_space<vmem>>)
    %dma_start3A_150 = arith.constant 0 : i32
    %dma_start3A_151 = tpu.memref_slice %arg5[%mul3A_131, %dma_start3A_150] : memref<16384x128xf32, #tpu.memory_space<hbm>> -> memref<128x64xf32, #tpu.memory_space<hbm>>
    %dma_start3A_152 = arith.constant 0 : i32
    %dma_start3A_153 = tpu.memref_slice %arg5[%mul3A_131, %dma_start3A_152] : memref<16384x128xf32, #tpu.memory_space<hbm>> -> memref<128x64xf32, #tpu.memory_space<hbm>>
    tpu.enqueue_dma source(%arg15 : memref<128x64xf32, #tpu.memory_space<vmem>>) target(%dma_start3A_153 : memref<128x64xf32, #tpu.memory_space<hbm>>) target_semaphore(%arg31 : memref<!tpu.dma_semaphore, #tpu.memory_space<semaphore_mem>>)
    %add3A_154 = arith.constant 3 : i32
    %add3A_155 = arith.addi %mul3A_2, %add3A_154 : i32
    %mul3A_156 = arith.constant 128 : i32
    %mul3A_157 = arith.muli %add3A_155, %mul3A_156 : i32
    %dma_wait3A_158 = arith.constant 3 : i32
    %dma_wait3A_159 = arith.constant 0 : i32
    %dma_wait3A_160 = tpu.memref_slice %arg7[%dma_wait3A_158, %dma_wait3A_159] : memref<4x128xi32, #tpu.memory_space<vmem>> -> memref<1x128xi32, #tpu.memory_space<vmem>>
    %dma_wait3A_161 = tpu.memref_squeeze %dma_wait3A_160 : memref<1x128xi32, #tpu.memory_space<vmem>> -> memref<128xi32, #tpu.memory_space<vmem>>
    %dma_wait3A_162 = arith.constant 0 : i32
    %dma_wait3A_163 = arith.constant 0 : i32
    %dma_wait3A_164 = tpu.memref_slice %arg3[%dma_wait3A_162, %dma_wait3A_163] : memref<100000x128xf32, #tpu.memory_space<hbm>> -> memref<100000x128xf32, #tpu.memory_space<hbm>>
    tpu.wait_indirect_dma semaphore(%arg20 : memref<!tpu.dma_semaphore, #tpu.memory_space<semaphore_mem>>) src(%dma_wait3A_164 : memref<100000x128xf32, #tpu.memory_space<hbm>>) dst(%arg12 : memref<128x128xf32, #tpu.memory_space<vmem>>)
    %dma_start3A_165 = arith.constant 0 : i32
    %dma_start3A_166 = tpu.memref_slice %arg6[%mul3A_157, %dma_start3A_165] : memref<16384x128xf32, #tpu.memory_space<hbm>> -> memref<128x128xf32, #tpu.memory_space<hbm>>
    %dma_start3A_167 = arith.constant 0 : i32
    %dma_start3A_168 = tpu.memref_slice %arg6[%mul3A_157, %dma_start3A_167] : memref<16384x128xf32, #tpu.memory_space<hbm>> -> memref<128x128xf32, #tpu.memory_space<hbm>>
    tpu.enqueue_dma source(%arg12 : memref<128x128xf32, #tpu.memory_space<vmem>>) target(%dma_start3A_168 : memref<128x128xf32, #tpu.memory_space<hbm>>) target_semaphore(%arg28 : memref<!tpu.dma_semaphore, #tpu.memory_space<semaphore_mem>>)
    %dma_wait3A_169 = arith.constant 3 : i32
    %dma_wait3A_170 = arith.constant 0 : i32
    %dma_wait3A_171 = tpu.memref_slice %arg8[%dma_wait3A_169, %dma_wait3A_170] : memref<4x128xi32, #tpu.memory_space<vmem>> -> memref<1x128xi32, #tpu.memory_space<vmem>>
    %dma_wait3A_172 = tpu.memref_squeeze %dma_wait3A_171 : memref<1x128xi32, #tpu.memory_space<vmem>> -> memref<128xi32, #tpu.memory_space<vmem>>
    %dma_wait3A_173 = arith.constant 0 : i32
    %dma_wait3A_174 = arith.constant 0 : i32
    %dma_wait3A_175 = tpu.memref_slice %arg2[%dma_wait3A_173, %dma_wait3A_174] : memref<102400x64xf32, #tpu.memory_space<hbm>> -> memref<102400x64xf32, #tpu.memory_space<hbm>>
    tpu.wait_indirect_dma semaphore(%arg24 : memref<!tpu.dma_semaphore, #tpu.memory_space<semaphore_mem>>) src(%dma_wait3A_175 : memref<102400x64xf32, #tpu.memory_space<hbm>>) dst(%arg16 : memref<128x64xf32, #tpu.memory_space<vmem>>)
    %dma_start3A_176 = arith.constant 0 : i32
    %dma_start3A_177 = tpu.memref_slice %arg5[%mul3A_157, %dma_start3A_176] : memref<16384x128xf32, #tpu.memory_space<hbm>> -> memref<128x64xf32, #tpu.memory_space<hbm>>
    %dma_start3A_178 = arith.constant 0 : i32
    %dma_start3A_179 = tpu.memref_slice %arg5[%mul3A_157, %dma_start3A_178] : memref<16384x128xf32, #tpu.memory_space<hbm>> -> memref<128x64xf32, #tpu.memory_space<hbm>>
    tpu.enqueue_dma source(%arg16 : memref<128x64xf32, #tpu.memory_space<vmem>>) target(%dma_start3A_179 : memref<128x64xf32, #tpu.memory_space<hbm>>) target_semaphore(%arg32 : memref<!tpu.dma_semaphore, #tpu.memory_space<semaphore_mem>>)
    %dma_wait3A_180 = arith.constant 0 : i32
    %dma_wait3A_181 = tpu.memref_slice %arg6[%mul3A_80, %dma_wait3A_180] : memref<16384x128xf32, #tpu.memory_space<hbm>> -> memref<128x128xf32, #tpu.memory_space<hbm>>
    %dma_wait3A_182 = arith.constant 0 : i32
    %dma_wait3A_183 = tpu.memref_slice %arg6[%mul3A_80, %dma_wait3A_182] : memref<16384x128xf32, #tpu.memory_space<hbm>> -> memref<128x128xf32, #tpu.memory_space<hbm>>
    tpu.wait_dma2 semaphore(%arg25 : memref<!tpu.dma_semaphore, #tpu.memory_space<semaphore_mem>>) src(%arg9 : memref<128x128xf32, #tpu.memory_space<vmem>>) dst(%dma_wait3A_183 : memref<128x128xf32, #tpu.memory_space<hbm>>)
    %dma_wait3A_184 = arith.constant 0 : i32
    %dma_wait3A_185 = tpu.memref_slice %arg5[%mul3A_80, %dma_wait3A_184] : memref<16384x128xf32, #tpu.memory_space<hbm>> -> memref<128x64xf32, #tpu.memory_space<hbm>>
    %dma_wait3A_186 = arith.constant 0 : i32
    %dma_wait3A_187 = tpu.memref_slice %arg5[%mul3A_80, %dma_wait3A_186] : memref<16384x128xf32, #tpu.memory_space<hbm>> -> memref<128x64xf32, #tpu.memory_space<hbm>>
    tpu.wait_dma2 semaphore(%arg29 : memref<!tpu.dma_semaphore, #tpu.memory_space<semaphore_mem>>) src(%arg13 : memref<128x64xf32, #tpu.memory_space<vmem>>) dst(%dma_wait3A_187 : memref<128x64xf32, #tpu.memory_space<hbm>>)
    %dma_wait3A_188 = arith.constant 0 : i32
    %dma_wait3A_189 = tpu.memref_slice %arg6[%mul3A_105, %dma_wait3A_188] : memref<16384x128xf32, #tpu.memory_space<hbm>> -> memref<128x128xf32, #tpu.memory_space<hbm>>
    %dma_wait3A_190 = arith.constant 0 : i32
    %dma_wait3A_191 = tpu.memref_slice %arg6[%mul3A_105, %dma_wait3A_190] : memref<16384x128xf32, #tpu.memory_space<hbm>> -> memref<128x128xf32, #tpu.memory_space<hbm>>
    tpu.wait_dma2 semaphore(%arg26 : memref<!tpu.dma_semaphore, #tpu.memory_space<semaphore_mem>>) src(%arg10 : memref<128x128xf32, #tpu.memory_space<vmem>>) dst(%dma_wait3A_191 : memref<128x128xf32, #tpu.memory_space<hbm>>)
    %dma_wait3A_192 = arith.constant 0 : i32
    %dma_wait3A_193 = tpu.memref_slice %arg5[%mul3A_105, %dma_wait3A_192] : memref<16384x128xf32, #tpu.memory_space<hbm>> -> memref<128x64xf32, #tpu.memory_space<hbm>>
    %dma_wait3A_194 = arith.constant 0 : i32
    %dma_wait3A_195 = tpu.memref_slice %arg5[%mul3A_105, %dma_wait3A_194] : memref<16384x128xf32, #tpu.memory_space<hbm>> -> memref<128x64xf32, #tpu.memory_space<hbm>>
    tpu.wait_dma2 semaphore(%arg30 : memref<!tpu.dma_semaphore, #tpu.memory_space<semaphore_mem>>) src(%arg14 : memref<128x64xf32, #tpu.memory_space<vmem>>) dst(%dma_wait3A_195 : memref<128x64xf32, #tpu.memory_space<hbm>>)
    %dma_wait3A_196 = arith.constant 0 : i32
    %dma_wait3A_197 = tpu.memref_slice %arg6[%mul3A_131, %dma_wait3A_196] : memref<16384x128xf32, #tpu.memory_space<hbm>> -> memref<128x128xf32, #tpu.memory_space<hbm>>
    %dma_wait3A_198 = arith.constant 0 : i32
    %dma_wait3A_199 = tpu.memref_slice %arg6[%mul3A_131, %dma_wait3A_198] : memref<16384x128xf32, #tpu.memory_space<hbm>> -> memref<128x128xf32, #tpu.memory_space<hbm>>
    tpu.wait_dma2 semaphore(%arg27 : memref<!tpu.dma_semaphore, #tpu.memory_space<semaphore_mem>>) src(%arg11 : memref<128x128xf32, #tpu.memory_space<vmem>>) dst(%dma_wait3A_199 : memref<128x128xf32, #tpu.memory_space<hbm>>)
    %dma_wait3A_200 = arith.constant 0 : i32
    %dma_wait3A_201 = tpu.memref_slice %arg5[%mul3A_131, %dma_wait3A_200] : memref<16384x128xf32, #tpu.memory_space<hbm>> -> memref<128x64xf32, #tpu.memory_space<hbm>>
    %dma_wait3A_202 = arith.constant 0 : i32
    %dma_wait3A_203 = tpu.memref_slice %arg5[%mul3A_131, %dma_wait3A_202] : memref<16384x128xf32, #tpu.memory_space<hbm>> -> memref<128x64xf32, #tpu.memory_space<hbm>>
    tpu.wait_dma2 semaphore(%arg31 : memref<!tpu.dma_semaphore, #tpu.memory_space<semaphore_mem>>) src(%arg15 : memref<128x64xf32, #tpu.memory_space<vmem>>) dst(%dma_wait3A_203 : memref<128x64xf32, #tpu.memory_space<hbm>>)
    %dma_wait3A_204 = arith.constant 0 : i32
    %dma_wait3A_205 = tpu.memref_slice %arg6[%mul3A_157, %dma_wait3A_204] : memref<16384x128xf32, #tpu.memory_space<hbm>> -> memref<128x128xf32, #tpu.memory_space<hbm>>
    %dma_wait3A_206 = arith.constant 0 : i32
    %dma_wait3A_207 = tpu.memref_slice %arg6[%mul3A_157, %dma_wait3A_206] : memref<16384x128xf32, #tpu.memory_space<hbm>> -> memref<128x128xf32, #tpu.memory_space<hbm>>
    tpu.wait_dma2 semaphore(%arg28 : memref<!tpu.dma_semaphore, #tpu.memory_space<semaphore_mem>>) src(%arg12 : memref<128x128xf32, #tpu.memory_space<vmem>>) dst(%dma_wait3A_207 : memref<128x128xf32, #tpu.memory_space<hbm>>)
    %dma_wait3A_208 = arith.constant 0 : i32
    %dma_wait3A_209 = tpu.memref_slice %arg5[%mul3A_157, %dma_wait3A_208] : memref<16384x128xf32, #tpu.memory_space<hbm>> -> memref<128x64xf32, #tpu.memory_space<hbm>>
    %dma_wait3A_210 = arith.constant 0 : i32
    %dma_wait3A_211 = tpu.memref_slice %arg5[%mul3A_157, %dma_wait3A_210] : memref<16384x128xf32, #tpu.memory_space<hbm>> -> memref<128x64xf32, #tpu.memory_space<hbm>>
    tpu.wait_dma2 semaphore(%arg32 : memref<!tpu.dma_semaphore, #tpu.memory_space<semaphore_mem>>) src(%arg16 : memref<128x64xf32, #tpu.memory_space<vmem>>) dst(%dma_wait3A_211 : memref<128x64xf32, #tpu.memory_space<hbm>>)
    return
  }
}

module attributes {stable_mosaic.version = 14 : i64} {
  func.func @_pack_body(%arg0: i32, %arg1: memref<64x10240xf32, #tpu.memory_space<vmem>>, %arg2: memref<64x10240xf32, #tpu.memory_space<vmem>>, %arg3: memref<10240x128xf32, #tpu.memory_space<vmem>>) attributes {dimension_semantics = [#tpu.dimension_semantics<arbitrary>], iteration_bounds = array<i64: 5>, scalar_prefetch = 0 : i64, scratch_operands = 0 : i64, tpu.core_type = #tpu.core_type<tc>, window_params = [{transform_indices = @transform_0, window_bounds = array<i64: 64, 10240>}, {transform_indices = @transform_1, window_bounds = array<i64: 64, 10240>}, {transform_indices = @transform_2, window_bounds = array<i64: 10240, 128>}]} {
    %get3A = arith.constant 0 : index
    %get3A_0 = arith.constant 0 : index
    %get3A_1 = vector.load %arg1[%get3A, %get3A_0] : memref<64x10240xf32, #tpu.memory_space<vmem>>, vector<64x10240xf32>
    %get3A_2 = arith.constant 0 : index
    %get3A_3 = arith.constant 0 : index
    %get3A_4 = vector.load %arg2[%get3A_2, %get3A_3] : memref<64x10240xf32, #tpu.memory_space<vmem>>, vector<64x10240xf32>
    %concatenate3A = tpu.concatenate %get3A_1, %get3A_4 in 0 : vector<64x10240xf32>, vector<64x10240xf32> -> vector<128x10240xf32>
    %transpose3A = tpu.transpose %concatenate3A, [1, 0] : vector<128x10240xf32> -> vector<10240x128xf32>
    %swap3A = arith.constant 0 : index
    %swap3A_5 = arith.constant 0 : index
    %swap3A_6 = vector.load %arg3[%swap3A, %swap3A_5] : memref<10240x128xf32, #tpu.memory_space<vmem>>, vector<10240x128xf32>
    tpu.vector_store %arg3[%swap3A, %swap3A_5], %transpose3A {strides = array<i32>} : memref<10240x128xf32, #tpu.memory_space<vmem>>, vector<10240x128xf32>,
    return
  }
  func.func @transform_0(%arg0: i32) -> (i32, i32) {
    %c0_i32 = arith.constant 0 : i32
    %c0_i32_0 = arith.constant 0 : i32
    return %c0_i32, %arg0 : i32, i32
  }
  func.func @transform_1(%arg0: i32) -> (i32, i32) {
    %add3A = arith.constant 5 : i32
    %add3A_0 = arith.addi %arg0, %add3A : i32
    %min3A = arith.constant 9 : i32
    %min3A_1 = arith.minsi %add3A_0, %min3A : i32
    %c0_i32 = arith.constant 0 : i32
    %c0_i32_2 = arith.constant 0 : i32
    return %c0_i32, %min3A_1 : i32, i32
  }
  func.func @transform_2(%arg0: i32) -> (i32, i32) {
    %c0_i32 = arith.constant 0 : i32
    %c0_i32_0 = arith.constant 0 : i32
    return %arg0, %c0_i32 : i32, i32
  }
}

module attributes {stable_mosaic.version = 14 : i64} {
  func.func @_tc_body(%arg0: i32, %arg1: memref<4096x128xf32, #tpu.memory_space<vmem>>, %arg2: memref<4096x128xf32, #tpu.memory_space<vmem>>, %arg3: memref<128x64xf32, #tpu.memory_space<vmem>>, %arg4: memref<1x64xf32, #tpu.memory_space<vmem>>, %arg5: memref<1x64xf32, #tpu.memory_space<vmem>>, %arg6: memref<1x64xf32, #tpu.memory_space<vmem>>, %arg7: memref<64x4096xf32, #tpu.memory_space<vmem>>) attributes {dimension_semantics = [#tpu.dimension_semantics<arbitrary>], iteration_bounds = array<i64: 4>, scalar_prefetch = 0 : i64, scratch_operands = 0 : i64, tpu.core_type = #tpu.core_type<tc>, window_params = [{transform_indices = @transform_0, window_bounds = array<i64: 4096, 128>}, {transform_indices = @transform_1, window_bounds = array<i64: 4096, 128>}, {pipeline_mode = #tpu.pipeline_mode<synchronous>, transform_indices = @transform_2, window_bounds = array<i64: 128, 64>}, {pipeline_mode = #tpu.pipeline_mode<synchronous>, transform_indices = @transform_3, window_bounds = array<i64: 1, 64>}, {pipeline_mode = #tpu.pipeline_mode<synchronous>, transform_indices = @transform_4, window_bounds = array<i64: 1, 64>}, {pipeline_mode = #tpu.pipeline_mode<synchronous>, transform_indices = @transform_5, window_bounds = array<i64: 1, 64>}, {transform_indices = @transform_6, window_bounds = array<i64: 64, 4096>}]} {
    %get3A = arith.constant 0 : index
    %get3A_0 = arith.constant 0 : index
    %get3A_1 = vector.load %arg2[%get3A, %get3A_0] : memref<4096x128xf32, #tpu.memory_space<vmem>>, vector<4096x128xf32>
    %get3A_2 = arith.constant 0 : index
    %get3A_3 = arith.constant 0 : index
    %get3A_4 = vector.load %arg3[%get3A_2, %get3A_3] : memref<128x64xf32, #tpu.memory_space<vmem>>, vector<128x64xf32>
    %dot_general3A = arith.constant dense<0.000000e+00> : vector<4096x64xf32>
    %dot_general3A_5 = tpu.matmul %get3A_1, %get3A_4, %dot_general3A {dimension_numbers = #tpu.dot_dimension_numbers<[1], [0], [0], [1], [0, 0, 1, 1], [], []>, transpose_lhs_hint = false} : vector<4096x128xf32>, vector<128x64xf32>, vector<4096x64xf32> -> vector<4096x64xf32>
    %get3A_6 = arith.constant 0 : index
    %get3A_7 = arith.constant 0 : index
    %get3A_8 = vector.load %arg1[%get3A_6, %get3A_7] : memref<4096x128xf32, #tpu.memory_space<vmem>>, vector<4096x64xf32>
    %add3A = arith.addf %get3A_8, %dot_general3A_5 : vector<4096x64xf32>
    %get3A_9 = arith.constant 0 : index
    %get3A_10 = arith.constant 0 : index
    %get3A_11 = vector.load %arg4[%get3A_9, %get3A_10] : memref<1x64xf32, #tpu.memory_space<vmem>>, vector<1x64xf32>
    %add3A_12 = vector.broadcast %get3A_11 : vector<1x64xf32> to vector<4096x64xf32>
    %add3A_13 = arith.addf %add3A, %add3A_12 : vector<4096x64xf32>
    %reduce_sum3A = arith.constant dense<0.000000e+00> : vector<4096xf32>
    %reduce_sum3A_14 = vector.multi_reduction <add>, %add3A_13, %reduce_sum3A [1] : vector<4096x64xf32> to vector<4096xf32>
    %broadcast_in_dim3A = vector.shape_cast %reduce_sum3A_14 : vector<4096xf32> to vector<4096x1xf32>
    %div3A = arith.constant 6.400000e+01 : f32
    %div3A_15 = vector.broadcast %div3A : f32 to vector<4096x1xf32>
    %div3A_16 = arith.divf %broadcast_in_dim3A, %div3A_15 : vector<4096x1xf32>
    %sub3A = vector.broadcast %div3A_16 : vector<4096x1xf32> to vector<4096x64xf32>
    %sub3A_17 = arith.subf %add3A_13, %sub3A : vector<4096x64xf32>
    %mul3A = arith.mulf %sub3A_17, %sub3A_17 : vector<4096x64xf32>
    %reduce_sum3A_18 = arith.constant dense<0.000000e+00> : vector<4096xf32>
    %reduce_sum3A_19 = vector.multi_reduction <add>, %mul3A, %reduce_sum3A_18 [1] : vector<4096x64xf32> to vector<4096xf32>
    %broadcast_in_dim3A_20 = vector.shape_cast %reduce_sum3A_19 : vector<4096xf32> to vector<4096x1xf32>
    %div3A_21 = arith.constant 6.400000e+01 : f32
    %div3A_22 = vector.broadcast %div3A_21 : f32 to vector<4096x1xf32>
    %div3A_23 = arith.divf %broadcast_in_dim3A_20, %div3A_22 : vector<4096x1xf32>
    %get3A_24 = arith.constant 0 : index
    %get3A_25 = arith.constant 0 : index
    %get3A_26 = vector.load %arg5[%get3A_24, %get3A_25] : memref<1x64xf32, #tpu.memory_space<vmem>>, vector<1x64xf32>
    %add3A_27 = arith.constant 9.99999974E-6 : f32
    %add3A_28 = vector.broadcast %add3A_27 : f32 to vector<4096x1xf32>
    %add3A_29 = arith.addf %div3A_23, %add3A_28 : vector<4096x1xf32>
    %rsqrt3A = math.rsqrt %add3A_29 : vector<4096x1xf32>
    %mul3A_30 = vector.broadcast %rsqrt3A : vector<4096x1xf32> to vector<4096x64xf32>
    %mul3A_31 = arith.mulf %sub3A_17, %mul3A_30 : vector<4096x64xf32>
    %mul3A_32 = vector.broadcast %get3A_26 : vector<1x64xf32> to vector<4096x64xf32>
    %mul3A_33 = arith.mulf %mul3A_32, %mul3A_31 : vector<4096x64xf32>
    %get3A_34 = arith.constant 0 : index
    %get3A_35 = arith.constant 0 : index
    %get3A_36 = vector.load %arg6[%get3A_34, %get3A_35] : memref<1x64xf32, #tpu.memory_space<vmem>>, vector<1x64xf32>
    %add3A_37 = vector.broadcast %get3A_36 : vector<1x64xf32> to vector<4096x64xf32>
    %add3A_38 = arith.addf %mul3A_33, %add3A_37 : vector<4096x64xf32>
    %transpose3A = tpu.transpose %add3A_38, [1, 0] : vector<4096x64xf32> -> vector<64x4096xf32>
    %swap3A = arith.constant 0 : index
    %swap3A_39 = arith.constant 0 : index
    %swap3A_40 = vector.load %arg7[%swap3A, %swap3A_39] : memref<64x4096xf32, #tpu.memory_space<vmem>>, vector<64x4096xf32>
    tpu.vector_store %arg7[%swap3A, %swap3A_39], %transpose3A {strides = array<i32>} : memref<64x4096xf32, #tpu.memory_space<vmem>>, vector<64x4096xf32>,
    return
  }
  func.func @transform_0(%arg0: i32) -> (i32, i32) {
    %c0_i32 = arith.constant 0 : i32
    %c0_i32_0 = arith.constant 0 : i32
    return %arg0, %c0_i32 : i32, i32
  }
  func.func @transform_1(%arg0: i32) -> (i32, i32) {
    %c0_i32 = arith.constant 0 : i32
    %c0_i32_0 = arith.constant 0 : i32
    return %arg0, %c0_i32 : i32, i32
  }
  func.func @transform_2(%arg0: i32) -> (i32, i32) {
    %c0_i32 = arith.constant 0 : i32
    %c0_i32_0 = arith.constant 0 : i32
    %c0_i32_1 = arith.constant 0 : i32
    return %c0_i32, %c0_i32_0 : i32, i32
  }
  func.func @transform_3(%arg0: i32) -> (i32, i32) {
    %c0_i32 = arith.constant 0 : i32
    %c0_i32_0 = arith.constant 0 : i32
    %c0_i32_1 = arith.constant 0 : i32
    return %c0_i32, %c0_i32_0 : i32, i32
  }
  func.func @transform_4(%arg0: i32) -> (i32, i32) {
    %c0_i32 = arith.constant 0 : i32
    %c0_i32_0 = arith.constant 0 : i32
    %c0_i32_1 = arith.constant 0 : i32
    return %c0_i32, %c0_i32_0 : i32, i32
  }
  func.func @transform_5(%arg0: i32) -> (i32, i32) {
    %c0_i32 = arith.constant 0 : i32
    %c0_i32_0 = arith.constant 0 : i32
    %c0_i32_1 = arith.constant 0 : i32
    return %c0_i32, %c0_i32_0 : i32, i32
  }
  func.func @transform_6(%arg0: i32) -> (i32, i32) {
    %c0_i32 = arith.constant 0 : i32
    %c0_i32_0 = arith.constant 0 : i32
    return %c0_i32, %arg0 : i32, i32
  }
}

</mosaic_0001>

<sc_bundles>
// kernel: kernel.5.cloned.1.call-start
scs
__scs_entry_jumppad:
0x0: {  	(pc) =	sbr.rel $0x88, $3  }
0x1: {  	(tag) =	ssettag $0x0;
	lr =	simm.s32 $0x1  }
0x2: {  	[smem:$0x3F9A] =	sst lr;
	_ =	strace $0xD0000000  }
0x3: {  	_ = 	snop  }
0x4: {  	_ = 	snop  }
0x5: {  	_ = 	snop  }
0x6: {  	_ = 	snop  }
0x7: {  	_ = 	snop  }
__scs_overlays_trampoline_lowered:
0x8: {  	[smem:$0x3FA9] =	sst s0  }
0x9: {  	[smem:$0x3FAA] =	sst s1  }
0xa: {  	[smem:$0x3FAB] =	sst s2  }
0xb: {  	[smem:$0x3FAC] =	sst s3  }
0xc: {  	[smem:$0x3FAD] =	sst s4  }
0xd: {  	[smem:$0x3FAE] =	sst s5  }
0xe: {  	[smem:$0x3FAF] =	sst s6  }
0xf: {  	[smem:$0x3FB0] =	sst s7  }
0x10: {  	[smem:$0x3FB1] =	sst s8  }
0x11: {  	[smem:$0x3FB2] =	sst s9;
	s0 =	simm.s32 @!p0 $0x0  }
0x12: {  	s1 =	sld [smem:$0x3F98];
	s0 =	simm.s32 @p0 $0x1  }
0x13: {  	[smem:$0x3FB3] =	sst s0;
	s0 =	simm.s32 @!p1 $0x0  }
0x14: {  	s2 =	sld [smem:$0x3F97];
	s0 =	simm.s32 @p1 $0x1  }
0x15: {  	[smem:$0x3FB4] =	sst s0;
	s0 =	simm.s32 @!p2 $0x0  }
0x16: {  	s3 =	sld [smem:$0x3FDB];
	s0 =	simm.s32 @p2 $0x1  }
0x17: {  	s4 =	simm.s32 $0x1BF5;
	[smem:$0x3FB6] =	sst s0  }
0x18: {  	s0 =	sld [smem:$0x3F99];
	_ =	swait.ge [sflag:s4], $0x0  }
0x19: {  	s7 =	sld [smem:$0x3F9A]  }
0x1a: {  	s8 =	sadd.s32 $0xFFFFE003, lr  }
0x1b: {  	s9 =	sadd.s32 $0xFFFFFEF7, lr;
	s5 =	simm.s32 $0xFFFFFFFF;
	p2 =	slt.u32 s8, $0xFFFFF086  }
0x1c: {  	p1 =	slt.u32 s9, $0xF7A;
	s5 =	simm.s32 @!p2 $0x0  }
0x1d: {  	s5 =	simm.s32 @p1 $0x1;
	p0 =	seq.s32 s7, s2  }
0x1e: {  	s7 =	smul.u32 @!p0 $0xF7A, s2;
	p2 =	seq.s32 @!p0 s5, $0x0  }
0x1f: {  	s9 =	smul.u32 $0xF7A, s1;
	s8 =	simm.s32 @!p0 $0x1BF5;
	p2 =	por !p2, p0  }
0x20: {  	[sflag:s8] =	ssyncset.s32 @!p0 $0xFFFFF086;
	s6 =	sadd.s32 @!p0 s3, s7;
	s7 =	simm.s32 @!p0 $0x108  }
0x21: {  	s3 =	sadd.s32 s3, s9;
	s6 =	sadd.s32 @!p0 $0x88, s6;
	s7 =	simm.s32 @p2 $0x1082  }
0x22: {  	[simem:s7], [sflag:s8] =	dma.local @!p0 [hbm:s6], $0xF7A  }
0x23: {  	s9 =	sor.u32 $0xD0000000, s2;
	s6 =	simm.s32 $0x108;
	_ =	swait.ge @!p0 [sflag:s8], $0x0  }
0x24: {  	s3 =	sadd.s32 $0x88, s3;
	s6 =	simm.s32 @!p1 $0x1082;
	[sflag:s4] =	ssyncset.s32 $0xFFFFF086  }
0x25: {  	[simem:s6], [sflag:s4] =	dma.local [hbm:s3], $0xF7A  }
0x26: {  	[smem:$0x3F9A] =	sst s1;
	(tag) =	ssettag s2;
	_ =	strace s9  }
0x27: {  	s1 =	sld [smem:$0x3FAA]  }
0x28: {  	s2 =	sld [smem:$0x3FAB]  }
0x29: {  	s4 =	sld [smem:$0x3FAD]  }
0x2a: {  	p0 =	seq.s32 s5, $0x0;
	s5 =	sld [smem:$0x3FAE]  }
0x2b: {  	s6 =	sld [smem:$0x3FAF]  }
0x2c: {  	s7 =	sld [smem:$0x3FB0]  }
0x2d: {  	s3 =	simm.s32 $0x108;
	s8 =	sld [smem:$0x3FB1]  }
0x2e: {  	s3 =	simm.s32 @!p0 $0x1082;
	s9 =	sld [smem:$0x3FB2]  }
0x2f: {  	lr =	sadd.s32 s0, s3;
	s0 =	sld [smem:$0x3FA9]  }
0x30: {  	s3 =	sld [smem:$0x3FAC]  }
0x31: {  	[smem:$0x3FB5] =	sst s10  }
0x32: {  	s10 =	sld [smem:$0x3FB3];
	_ =	sdelay $0x3  }
0x33: {  	p0 =	seq.s32 s10, $0x1;
	s10 =	sld [smem:$0x3FB5];
	_ =	sdelay $0x3  }
0x34: {  	[smem:$0x3FB5] =	sst s10  }
0x35: {  	s10 =	sld [smem:$0x3FB4];
	_ =	sdelay $0x3  }
0x36: {  	p1 =	seq.s32 s10, $0x1;
	s10 =	sld [smem:$0x3FB5];
	_ =	sdelay $0x3  }
0x37: {  	[smem:$0x3FB5] =	sst s10  }
0x38: {  	s10 =	sld [smem:$0x3FB6]  }
0x39: {  	_ = 	snop;
	(pc) =	sbr.ind lr, $3  }
0x3a: {  	_ = 	snop  }
0x3b: {  	_ = 	snop  }
0x3c: {  	p2 =	seq.s32 s10, $0x1;
	s10 =	sld [smem:$0x3FB5]  }
0x3d: {  	_ =	shalt  }
0x3e: {  	_ =	shalt  }
0x3f: {  	_ =	shalt  }
0x40: {  	_ =	shalt  }
0x41: {  	_ =	shalt  }
0x42: {  	_ =	shalt  }
0x43: {  	_ =	shalt  }
0x44: {  	_ =	shalt  }
0x45: {  	_ =	shalt  }
0x46: {  	_ =	shalt  }
0x47: {  	_ =	shalt  }
0x48: {  	_ =	shalt  }
0x49: {  	_ =	shalt  }
0x4a: {  	_ =	shalt  }
0x4b: {  	_ =	shalt  }
0x4c: {  	_ =	shalt  }
0x4d: {  	_ =	shalt  }
0x4e: {  	_ =	shalt  }
0x4f: {  	_ =	shalt  }
0x50: {  	_ =	shalt  }
0x51: {  	_ =	shalt  }
0x52: {  	_ =	shalt  }
0x53: {  	_ =	shalt  }
0x54: {  	_ =	shalt  }
0x55: {  	_ =	shalt  }
0x56: {  	_ =	shalt  }
0x57: {  	_ =	shalt  }
0x58: {  	_ =	shalt  }
0x59: {  	_ =	shalt  }
0x5a: {  	_ =	shalt  }
0x5b: {  	_ =	shalt  }
0x5c: {  	_ =	shalt  }
0x5d: {  	_ =	shalt  }
0x5e: {  	_ =	shalt  }
0x5f: {  	_ =	shalt  }
0x60: {  	_ =	shalt  }
0x61: {  	_ =	shalt  }
0x62: {  	_ =	shalt  }
0x63: {  	_ =	shalt  }
0x64: {  	_ =	shalt  }
0x65: {  	_ =	shalt  }
0x66: {  	_ =	shalt  }
0x67: {  	_ =	shalt  }
0x68: {  	_ =	shalt  }
0x69: {  	_ =	shalt  }
0x6a: {  	_ =	shalt  }
0x6b: {  	_ =	shalt  }
0x6c: {  	_ =	shalt  }
0x6d: {  	_ =	shalt  }
0x6e: {  	_ =	shalt  }
0x6f: {  	_ =	shalt  }
0x70: {  	_ =	shalt  }
0x71: {  	_ =	shalt  }
0x72: {  	_ =	shalt  }
0x73: {  	_ =	shalt  }
0x74: {  	_ =	shalt  }
0x75: {  	_ =	shalt  }
0x76: {  	_ =	shalt  }
0x77: {  	_ =	shalt  }
0x78: {  	_ =	shalt  }
0x79: {  	_ =	shalt  }
0x7a: {  	_ =	shalt  }
0x7b: {  	_ =	shalt  }
0x7c: {  	_ =	shalt  }
0x7d: {  	_ =	shalt  }
0x7e: {  	_ =	shalt  }
0x7f: {  	_ =	shalt  }
0x80: {  	_ =	shalt  }
0x81: {  	_ =	shalt  }
0x82: {  	_ =	shalt  }
0x83: {  	_ =	shalt  }
0x84: {  	_ =	shalt  }
0x85: {  	_ =	shalt  }
0x86: {  	_ =	shalt  }
0x87: {  	_ =	shalt  }
.Lfunc_end0:
.L_simem_size_0:
called_computation_lowered:
.L_overlay_start_0:
0x88: {  	s2 =	sld [smem:$0x3FD9]  }
0x89: {  	s3 =	sld [smem:$0x3FFE];
	_ =	sdelay $0x1  }
0x8a: {  	s1 =	srdreg.scid  }
0x8b: {  	s0 =	sand.u32 $0x1, s1  }
0x8c: {  	s17 =	sshll.u32 s0, $0xA;
	s2 =	sadd.s32 s3, s2  }
0x8d: {  	s2 =	sadd.s32 s2, s17  }
0x8e: {  	[smem:$0x3FC1] =	sst s2  }
0x8f: {  	_ = 	snop  }
0x90: {  	s2 =	sld [smem:$0x3FC8]  }
0x91: {  	s18 =	sld [smem:$0x3FC3];
	(tm) =	ssettm $0x1  }
0x92: {  	s4 =	sld [smem:$0x3FFB];
	_ =	sdelay $0x3  }
0x93: {  	_ =	strace s4  }
0x94: {  	s4 =	sld [smem:$0x3FFC];
	_ =	sdelay $0x3  }
0x95: {  	_ =	strace s4  }
0x96: {  	s4 =	sld [smem:$0x3FFD];
	_ =	sdelay $0x3  }
0x97: {  	_ =	strace s4  }
0x98: {  	_ =	strace $0x8FFFFFFF  }
0x99: {  	s19 =	sld [smem:$0x3FDB];
	_ =	sdelay $0x1  }
0x9a: {  	s5 =	simm.s32 $_scs_section_size  }
0x9b: {  	s6 =	simm.s32 $_size__tile_overlayer_lowered;
	s7 =	simm.s32 $_tile_overlayer_lowered  }
0x9c: {  	s22 =	simm.s32 $0x1BFF;
	s21 =	sshll.u32 s7, $0x1;
	s4 =	sadd.s32 s5, s19  }
0x9d: {  	s8 =	simm.s32 $0x0;
	s20 =	sshll.u32 s6, $0x1;
	s6 =	sadd.s32 s21, s4  }
0x9e: {  	[timem:s8], [sflag:s22] =	dma.local [hbm:s6], s20  }
0x9f: {  	_ =	swait.ge [sflag:s22], s20  }
0xa0: {  	s5 =	ssub.s32 $0x0, s20;
	[sflag:s22] =	ssyncset.done $0x0  }
0xa1: {  	[sflag:s22] =	ssyncadd.s32 s5;
	_ =	sdelay $0x1  }
0xa2: {  	s23 =	simm.s32 $0x1B8B  }
0xa3: {  	_ =	swait.ge [sflag:s23], $0x1  }
0xa4: {  	[sflag:s23] =	ssyncset.done $0x0  }
0xa5: {  	s25 =	simm.s32 $0x1B8E;
	s24 =	sld [smem:$0x3FFE];
	[sflag:s23] =	ssyncadd.s32 $0xFFFFFFFF  }
0xa6: {  	s26 =	simm.s32 $execute0_lowered;
	[smem:$0x3FD2] =	sst s25  }
0xa7: {  	s6 =	sshll.u32 s26, $0x1;
	_ =	strace $0x80000046;
	[dreg:$0x1] =	wrdreg $0xFFFFFFFF  }
0xa8: {  	s28 =	simm.s32 $_size_execute0_lowered;
	s4 =	sadd.s32 s4, s6;
	[dreg:$0x0] =	wrdreg $0x0  }
0xa9: {  	s6 =	sshll.u32 s28, $0x1;
	[dreg:$0x2] =	wrdreg s4  }
0xaa: {  	[dreg:$0x3] =	wrdreg s6  }
0xab: {  	[dreg:$0x4] =	wrdreg $0xC0  }
0xac: {  	_ =	task [dreg:s8], $0x5FFFF  }
0xad: {  	[dreg:$0x1] =	wrdreg $0xFFFFFFFF  }
0xae: {  	[dreg:$0x0] =	wrdreg $0x60  }
0xaf: {  	[dreg:$0x2] =	wrdreg s24  }
0xb0: {  	[dreg:$0x3] =	wrdreg s2  }
0xb1: {  	[dreg:$0x4] =	wrdreg s18  }
0xb2: {  	[dreg:$0x5] =	wrdreg $0x9  }
0xb3: {  	_ =	task.clear_ibuf [dreg:s8], $0x6FFFF;
	_ =	strace $0x90000046  }
0xb4: {  	s29 =	simm.s32 $0x9;
	_ =	strace $0x80000048  }
0xb5: {  	_ =	swait.ge [sflag:s29], $0x1  }
0xb6: {  	[sflag:s29] =	ssyncadd.s32 $0xFFFFFFFF  }
0xb7: {  	_ =	strace $0x90000048  }
0xb8: {  	_ =	sfence  }
0xb9: {  	s30 =	sld [smem:$0x0];
	_ =	sdelay $0x2  }
0xba: {  	s31 =	sshll.u32 s1, $0xD;
	s1 =	sshrl.u32 s1, $0x2  }
0xbb: {  	s3 =	sand.u32 $0x4000, s31;
	s1 =	sadd.s32 s1, s30  }
0xbc: {  	s0 =	sor.u32 s3, s0;
	s1 =	sshll.u32 s1, $0x11  }
0xbd: {  	s0 =	sor.u32 s1, s0  }
0xbe: {  	s0 =	sadd.s32 $0x8F2B, s0  }
0xbf: {  	[sflag:s0] =	ssyncadd.remote.s32 $0x1  }
0xc0: {  	_ =	sfence.sel $0xFFFF  }
0xc1: {  	[dreg:$0x0] =	wrdreg $0xFFFFFFFF;
	(pc) =	sbr.abs _section_cstart, $3  }
0xc2: {  	[dreg:$0x1] =	wrdreg $0xFFFFFFFF  }
0xc3: {  	_ =	task.clear_ibuf [dreg:s8], $0x2FFFF;
	_ =	strace $0x9FFFFFFF  }
0xc4: {  	(tm) =	ssettm $0x7FFFFFFF  }
0xc5: {  	_ =	shalt  }
tec
execute0_lowered:
.L_overlay_start_1:
0x0: {  	(tag) =	ssettag $0x1  }
0x1: {  	s0 =	rddreg [dreg:$0x0]  }
0x2: {  	s1 =	rddreg [dreg:$0x1]  }
0x3: {  	s2 =	rddreg [dreg:$0x2]  }
0x4: {  	s3 =	srdreg.scid;
	s6 =	stileid.u32  }
0x5: {  	s21 =	simm.s32 $0x100;
	s22 =	simm.s32 $0x180;
	s23 =	simm.s32 $0x200  }
0x6: {  	s24 =	simm.s32 $0x280;
	s4 =	sand.u32 $0x1, s3;
	s3 =	simm.s32 $0x0  }
0x7: {  	s25 =	simm.s32 $0x300;
	s26 =	simm.s32 $0x380;
	[smem:$0x7FF] =	sst s3  }
0x8: {  	s28 =	simm.s32 $0xA;
	_ =	strace $0x80000047;
	[dreg:$0xd] =	wrdreg s21  }
0x9: {  	s29 =	simm.s32 $0xE;
	s30 =	simm.s32 $0xB;
	[dreg:$0xe] =	wrdreg s22  }
0xa: {  	s31 =	simm.s32 $0xF;
	s7 =	sadd.s32 $0x109400, s0;
	[dreg:$0xf] =	wrdreg s23  }
0xb: {  	s9 =	sadd.s32 $0xC9400, s0;
	s5 =	sshll.u32 s4, $0x4;
	[dreg:$0x10] =	wrdreg s24  }
0xc: {  	s4 =	ssub.s32 $0x2, s4;
	s5 =	sor.u32 s6, s5;
	[dreg:$0x11] =	wrdreg s25  }
0xd: {  	s17 =	sshrl.u32 s4, $0x1;
	[dreg:$0x12] =	wrdreg s26;
	s21 =	simm.s32 $0x3  }
0xe: {  	s22 =	simm.s32 $0x7;
	s23 =	simm.s32 $0x4;
	s24 =	simm.s32 $0x8  }
0xf: {  	s25 =	simm.s32 $0x9;
	s26 =	simm.s32 $0xD;
	s6 =	sshll.u32 s5, $0x6  }
0x10: {  	s5 =	sshll.u32 s5, $0xD;
	s19 =	ssub.s32 s4, s17;
	s4 =	sadd.s32 $0x1400, s0  }
0x11: {  	s17 =	simm.s32 $0x5;
	s0 =	simm.s32 $0xC;
	s2 =	sadd.s32 s2, s6  }
0x12: {  	s10 =	sadd.s32 s7, s5;
	s11 =	sadd.s32 s9, s5;
	[dreg:$0x4] =	wrdreg s2  }
0x13: {  	s8 =	sor.u32 $0x800, s5;
	s14 =	sor.u32 $0x1000, s5;
	[dreg:$0x5] =	wrdreg s10  }
0x14: {  	s5 =	sor.u32 $0x1800, s5;
	[dreg:$0x6] =	wrdreg s11;
	s12 =	sadd.s32 s7, s8  }
0x15: {  	s13 =	sadd.s32 s9, s8;
	s15 =	sadd.s32 s7, s14;
	[dreg:$0x7] =	wrdreg s12  }
0x16: {  	s16 =	sadd.s32 s9, s14;
	s18 =	sadd.s32 s7, s5;
	[dreg:$0x8] =	wrdreg s13  }
0x17: {  	s20 =	sadd.s32 s9, s5;
	s5 =	smax.u32 s19, $0x1;
	[dreg:$0x9] =	wrdreg s15  }
0x18: {  	s7 =	simm.s32 $0x80;
	s19 =	simm.s32 $0x2;
	[dreg:$0xa] =	wrdreg s16  }
0x19: {  	s2 =	simm.s32 $0x10;
	s10 =	simm.s32 $0x400;
	[dreg:$0xb] =	wrdreg s18  }
0x1a: {  	s11 =	simm.s32 $0x4400;
	s14 =	simm.s32 $0x10400;
	[dreg:$0xc] =	wrdreg s20  }
0x1b: {  	s18 =	simm.s32 $0x40;
	s20 =	simm.s32 $0x6;
	s12 =	simm.s32 $0x8400  }
0x1c: {  	v0 =	vimm.s32 $0x0;
	s13 =	simm.s32 $0xC400;
	s15 =	simm.s32 $0x12400;
	s16 =	simm.s32 $0x16400  }
.LBB2_1:
0x1d: {  	s8 =	rddreg [dreg:$0x4];
	s6 =	simm.s32 $0x11  }
0x1e: {  	[tilespmem:s3], [sflag:$0x11] =	stream.linear.gather [hbm4b:s8+s3], $0x200, $0x38;
	[tilespmem:$0x18400] =	vst v63  }
0x1f: {  	_ =	swait.ge [sflag:s6], $0x200  }
0x20: {  	[sflag:s6] =	ssyncset.done $0x0  }
0x21: {  	[sflag:s6] =	ssyncadd.s32 $0xFFFFFE00  }
0x22: {  	v1 =	vld [tilespmem:$0x0]  }
0x23: {  	v2 =	vld [tilespmem:$0x10]  }
0x24: {  	v3 =	vld [tilespmem:$0x20]  }
0x25: {  	v5 =	vld [tilespmem:$0x30]  }
0x26: {  	v6 =	vld [tilespmem:$0x40]  }
0x27: {  	v18 =	vld [tilespmem:$0x50]  }
0x28: {  	v10 =	vld [tilespmem:$0x60]  }
0x29: {  	v11 =	vld [tilespmem:$0x70]  }
0x2a: {  	v23 =	vld [tilespmem:$0x80]  }
0x2b: {  	v13 =	vld [tilespmem:$0x90]  }
0x2c: {  	v14 =	vld [tilespmem:$0xA0]  }
0x2d: {  	v31 =	vld [tilespmem:$0xB0]  }
0x2e: {  	vm0 =	vgt.s32 v1, $0xC7FF;
	vm1 =	vgt.s32 v2, $0xC7FF  }
0x2f: {  	vm10 =	vgt.s32 v3, $0xC7FF;
	vm11 =	vgt.s32 v5, $0xC7FF;
	vm12 =	vgt.s32 v6, $0xC7FF  }
0x30: {  	vm13 =	vgt.s32 v18, $0xC7FF;
	vm14 =	vgt.s32 v10, $0xC7FF;
	vm15 =	vgt.s32 v11, $0xC7FF  }
0x31: {  	vm4 =	vgt.s32 v23, $0xC7FF;
	vm5 =	vgt.s32 v13, $0xC7FF;
	vm6 =	vgt.s32 v14, $0xC7FF  }
0x32: {  	vm7 =	vgt.s32 v31, $0xC7FF;
	v4 =	vsel vm0, $0x7FFF3800, v0;
	v15 =	vsel vm1, $0x7FFF3800, v0  }
0x33: {  	v40 =	vld [tilespmem:$0xE0];
	v7 =	vsel vm0, $0x1, v0;
	v16 =	vsel vm1, $0x1, v0;
	v17 =	vsel vm10, $0x7FFF3800, v0  }
0x34: {  	v49 =	vld [tilespmem:$0x110];
	v8 =	vsel vm10, $0x1, v0;
	v19 =	vsel vm11, $0x1, v0;
	v9 =	vsel vm11, $0x7FFF3800, v0  }
0x35: {  	v58 =	vld [tilespmem:$0x140];
	v20 =	vsel vm12, $0x7FFF3800, v0;
	v21 =	vsel vm12, $0x1, v0;
	v22 =	vsel vm13, $0x7FFF3800, v0  }
0x36: {  	v24 =	vsel vm13, $0x1, v0;
	v25 =	vsel vm14, $0x1, v0;
	v12 =	vsel vm14, $0x7FFF3800, v0  }
0x37: {  	v26 =	vsel vm15, $0x7FFF3800, v0;
	v29 =	vsel vm15, $0x1, v0;
	v30 =	vsel vm4, $0x7FFF3800, v0  }
0x38: {  	v32 =	vsel vm4, $0x1, v0;
	v33 =	vsel vm5, $0x1, v0;
	v34 =	vsel vm6, $0x7FFF3800, v0  }
0x39: {  	v37 =	vsel vm6, $0x1, v0;
	v39 =	vsel vm7, $0x7FFF3800, v0;
	v41 =	vsel vm7, $0x1, v0  }
0x3a: {  	v60 =	vld [tilespmem:$0x150];
	vm10 =	vgt.s32 v40, $0xC7FF;
	vm13 =	vgt.s32 v49, $0xC7FF;
	vm4 =	vgt.s32 v58, $0xC7FF  }
0x3b: {  	v1 =	vadd.s32 v1, v4;
	v2 =	vadd.s32 v2, v15;
	v3 =	vadd.s32 v3, v17  }
0x3c: {  	v5 =	vadd.s32 v5, v9;
	v6 =	vadd.s32 v6, v20;
	v10 =	vadd.s32 v10, v12  }
0x3d: {  	v28 =	vadd.s32 v11, v26;
	v15 =	vsel vm5, $0x7FFF3800, v0;
	v36 =	vadd.s32 v14, v34  }
0x3e: {  	v11 =	vadd.s32 v31, v39;
	v48 =	vsel vm10, $0x7FFF3800, v0;
	v50 =	vsel vm10, $0x1, v0  }
0x3f: {  	v57 =	vsel vm13, $0x7FFF3800, v0;
	vm5 =	vgt.s32 v60, $0xC7FF;
	v1 =	vshll.u32 v1, $0x1  }
0x40: {  	v2 =	vshll.u32 v2, $0x1;
	v3 =	vshll.u32 v3, $0x1;
	v5 =	vshll.u32 v5, $0x1  }
0x41: {  	v6 =	vshll.u32 v6, $0x1;
	v27 =	vshll.u32 v10, $0x1;
	v10 =	vshll.u32 v28, $0x1  }
0x42: {  	v13 =	vadd.s32 v13, v15;
	v11 =	vshll.u32 v11, $0x1;
	v14 =	vadd.s32 v40, v48  }
0x43: {  	v28 =	vsel vm4, $0x7FFF3800, v0;
	v31 =	vsel vm5, $0x1, v0;
	v1 =	vor.u32 v7, v1  }
0x44: {  	v2 =	vor.u32 v16, v2;
	v3 =	vor.u32 v8, v3;
	v4 =	vor.u32 v19, v5  }
0x45: {  	v5 =	vor.u32 v21, v6;
	v6 =	vadd.s32 v18, v22;
	v7 =	vor.u32 v25, v27  }
0x46: {  	v17 =	vld [tilespmem:$0xD0];
	v9 =	vor.u32 v29, v10;
	v8 =	vadd.s32 v23, v30;
	v35 =	vshll.u32 v13, $0x1  }
0x47: {  	v20 =	vld [tilespmem:$0x100];
	v13 =	vshll.u32 v36, $0x1;
	v11 =	vor.u32 v41, v11;
	v14 =	vshll.u32 v14, $0x1  }
0x48: {  	v39 =	vld [tilespmem:$0x1A0];
	v30 =	vsel vm4, $0x1, v0;
	v6 =	vshll.u32 v6, $0x1;
	v8 =	vshll.u32 v8, $0x1  }
0x49: {  	v16 =	vld [tilespmem:$0xC0];
	v10 =	vor.u32 v33, v35;
	v38 =	vor.u32 v37, v13;
	v14 =	vor.u32 v50, v14;
	[tilespmem:$0x210] =	vst v2  }
0x4a: {  	v19 =	vld [tilespmem:$0xF0];
	v2 =	vsel vm13, $0x1, v0;
	[tilespmem:$0x240] =	vst v5;
	v5 =	vadd.s32 v58, v28;
	v6 =	vor.u32 v24, v6  }
0x4b: {  	v22 =	vld [tilespmem:$0x120];
	v8 =	vor.u32 v32, v8;
	v32 =	vsel vm5, $0x7FFF3800, v0;
	v5 =	vshll.u32 v5, $0x1  }
0x4c: {  	v23 =	vld [tilespmem:$0x130];
	[tilespmem:$0x270] =	vst v9;
	vm9 =	vgt.s32 v17, $0xC7FF;
	vm12 =	vgt.s32 v20, $0xC7FF;
	v9 =	vadd.s32 v60, v32  }
0x4d: {  	v29 =	vld [tilespmem:$0x170];
	v5 =	vor.u32 v30, v5;
	vm10 =	vgt.s32 v39, $0xC7FF;
	v43 =	vsel vm9, $0x7FFF3800, v0  }
0x4e: {  	v46 =	vsel vm9, $0x1, v0;
	v52 =	vsel vm12, $0x7FFF3800, v0;
	v55 =	vsel vm12, $0x1, v0  }
0x4f: {  	v9 =	vshll.u32 v9, $0x1;
	v48 =	vsel vm10, $0x7FFF3800, v0;
	v50 =	vsel vm10, $0x1, v0  }
0x50: {  	vm8 =	vgt.s32 v16, $0xC7FF;
	v45 =	vadd.s32 v17, v43;
	vm11 =	vgt.s32 v19, $0xC7FF  }
0x51: {  	v33 =	vld [tilespmem:$0x180];
	v54 =	vadd.s32 v20, v52;
	v17 =	vadd.s32 v49, v57;
	vm14 =	vgt.s32 v22, $0xC7FF  }
0x52: {  	v35 =	vld [tilespmem:$0x190];
	[tilespmem:$0x280] =	vst v8;
	vm15 =	vgt.s32 v23, $0xC7FF;
	vm7 =	vgt.s32 v29, $0xC7FF;
	v8 =	vor.u32 v31, v9  }
0x53: {  	v42 =	vsel vm8, $0x1, v0;
	v18 =	vsel vm8, $0x7FFF3800, v0;
	v51 =	vsel vm11, $0x1, v0  }
0x54: {  	[tilespmem:$0x220] =	vst v3;
	v24 =	vld [tilespmem:$0x160];
	v21 =	vsel vm11, $0x7FFF3800, v0;
	v3 =	vsel vm14, $0x1, v0;
	v59 =	vsel vm14, $0x7FFF3800, v0  }
0x55: {  	[tilespmem:$0x200] =	vst v1;
	v61 =	vshll.u32 v17, $0x1;
	v63 =	vsel vm15, $0x7FFF3800, v0;
	v27 =	vsel vm15, $0x1, v0  }
0x56: {  	[tilespmem:$0x2A0] =	vst v38;
	v38 =	vsel vm7, $0x7FFF3800, v0;
	v40 =	vsel vm7, $0x1, v0;
	vm8 =	vgt.s32 v33, $0xC7FF  }
0x57: {  	[tilespmem:$0x230] =	vst v4;
	vm9 =	vgt.s32 v35, $0xC7FF;
	v16 =	vadd.s32 v16, v18;
	v19 =	vadd.s32 v19, v21  }
0x58: {  	[tilespmem:$0x260] =	vst v7;
	v62 =	vadd.s32 v22, v59;
	v2 =	vor.u32 v2, v61;
	v25 =	vadd.s32 v23, v63  }
0x59: {  	[tilespmem:$0x250] =	vst v6;
	vm6 =	vgt.s32 v24, $0xC7FF;
	v6 =	vadd.s32 v29, v38;
	v41 =	vsel vm8, $0x1, v0  }
0x5a: {  	[tilespmem:$0x2B0] =	vst v11;
	v44 =	vshll.u32 v16, $0x1;
	v16 =	vshll.u32 v45, $0x1;
	v53 =	vshll.u32 v19, $0x1  }
0x5b: {  	[tilespmem:$0x290] =	vst v10;
	v43 =	vld [tilespmem:$0x1B0];
	v19 =	vshll.u32 v54, $0x1;
	v26 =	vshll.u32 v62, $0x1;
	v4 =	vshll.u32 v25, $0x1  }
0x5c: {  	[tilespmem:$0x2E0] =	vst v14;
	v49 =	vld [tilespmem:$0x1D0];
	v34 =	vsel vm6, $0x7FFF3800, v0;
	v37 =	vsel vm6, $0x1, v0;
	v45 =	vsel vm9, $0x7FFF3800, v0  }
0x5d: {  	[tilespmem:$0x310] =	vst v2;
	v2 =	vsel vm9, $0x1, v0;
	v13 =	vor.u32 v42, v44;
	v47 =	vor.u32 v46, v16  }
0x5e: {  	[tilespmem:$0x340] =	vst v5;
	v1 =	vor.u32 v51, v53;
	v56 =	vor.u32 v55, v19;
	v3 =	vor.u32 v3, v26  }
0x5f: {  	[tilespmem:$0x350] =	vst v8;
	v4 =	vor.u32 v27, v4;
	v36 =	vadd.s32 v24, v34;
	v42 =	vsel vm8, $0x7FFF3800, v0  }
0x60: {  	v7 =	vshll.u32 v36, $0x1;
	[tilespmem:$0x2F0] =	vst v1;
	v1 =	vshll.u32 v6, $0x1;
	v44 =	vadd.s32 v33, v42  }
0x61: {  	[tilespmem:$0x2D0] =	vst v47;
	v47 =	vadd.s32 v35, v45;
	vm11 =	vgt.s32 v43, $0xC7FF;
	vm13 =	vgt.s32 v49, $0xC7FF  }
0x62: {  	v46 =	vld [tilespmem:$0x1C0];
	[tilespmem:$0x2C0] =	vst v13;
	v7 =	vor.u32 v37, v7;
	v1 =	vor.u32 v40, v1;
	v6 =	vshll.u32 v44, $0x1  }
0x63: {  	v53 =	vld [tilespmem:$0x1E0];
	[tilespmem:$0x300] =	vst v56;
	v11 =	vshll.u32 v47, $0x1;
	v51 =	vsel vm11, $0x1, v0;
	v52 =	vsel vm11, $0x7FFF3800, v0  }
0x64: {  	[tilespmem:$0x320] =	vst v3;
	v59 =	vsel vm13, $0x7FFF3800, v0;
	v3 =	vor.u32 v41, v6;
	v2 =	vor.u32 v2, v11  }
0x65: {  	[tilespmem:$0x330] =	vst v4;
	v56 =	vld [tilespmem:$0x1F0];
	v6 =	vadd.s32 v39, v48;
	v54 =	vadd.s32 v43, v52;
	v5 =	vadd.s32 v49, v59  }
0x66: {  	v6 =	vshll.u32 v6, $0x1;
	v58 =	vshll.u32 v54, $0x1;
	[tilespmem:$0x390] =	vst v2;
	v2 =	vsel vm13, $0x1, v0  }
0x67: {  	[tilespmem:$0x380] =	vst v3;
	vm12 =	vgt.s32 v46, $0xC7FF;
	v4 =	vor.u32 v50, v6;
	v3 =	vor.u32 v51, v58  }
0x68: {  	[tilespmem:$0x370] =	vst v1;
	vm14 =	vgt.s32 v53, $0xC7FF;
	v55 =	vsel vm12, $0x7FFF3800, v0;
	v1 =	vsel vm12, $0x1, v0  }
0x69: {  	[tilespmem:$0x360] =	vst v7;
	v60 =	vsel vm14, $0x1, v0;
	v61 =	vsel vm14, $0x7FFF3800, v0;
	v57 =	vadd.s32 v46, v55  }
0x6a: {  	vm15 =	vgt.s32 v56, $0xC7FF;
	[tilespmem:$0x3B0] =	vst v3;
	v3 =	vshll.u32 v5, $0x1;
	v6 =	vshll.u32 v57, $0x1  }
0x6b: {  	[tilespmem:$0x3A0] =	vst v4;
	v62 =	vadd.s32 v53, v61;
	v63 =	vsel vm15, $0x7FFF3800, v0;
	v1 =	vor.u32 v1, v6  }
0x6c: {  	[tilespmem:$0x3C0] =	vst v1;
	v1 =	vor.u32 v2, v3;
	v2 =	vadd.s32 v56, v63;
	v3 =	vshll.u32 v62, $0x1  }
0x6d: {  	[tilespmem:$0x3D0] =	vst v1;
	v1 =	vor.u32 v60, v3;
	v3 =	vsel vm15, $0x1, v0;
	v2 =	vshll.u32 v2, $0x1  }
0x6e: {  	[tilespmem:$0x3E0] =	vst v1;
	v1 =	vor.u32 v3, v2  }
0x6f: {  	[tilespmem:$0x3F0] =	vst v1  }
0x70: {  	[tilespmem:s10], [sflag:$0x1] =	stream.indirect.gather [hbm4b:s1+s7], $0x80, s3, s7, $0xb8;
	[tilespmem:$0x18400] =	vst v63  }
0x71: {  	_ = 	snop  }
0x72: {  	[tilespmem:s11], [sflag:$0x2] =	stream.indirect.gather [hbm4b:s1+s7], $0x80, s7, s7, $0xb8;
	[tilespmem:$0x18400] =	vst v63  }
0x73: {  	s6 =	rddreg [dreg:$0xd]  }
0x74: {  	[tilespmem:s12], [sflag:$0x3] =	stream.indirect.gather [hbm4b:s1+s7], $0x80, s6, s7, $0xb8;
	[tilespmem:$0x18400] =	vst v63  }
0x75: {  	s9 =	rddreg [dreg:$0xe]  }
0x76: {  	[tilespmem:s13], [sflag:$0x4] =	stream.indirect.gather [hbm4b:s1+s7], $0x80, s9, s7, $0xb8;
	[tilespmem:$0x18400] =	vst v63  }
0x77: {  	s8 =	rddreg [dreg:$0xf]  }
0x78: {  	[tilespmem:s14], [sflag:$0x5] =	stream.indirect.gather [hbm4b:s4+s7], $0x40, s8, s7, $0xb8;
	[tilespmem:$0x18400] =	vst v63  }
0x79: {  	s6 =	rddreg [dreg:$0x10]  }
0x7a: {  	[tilespmem:s15], [sflag:$0x6] =	stream.indirect.gather [hbm4b:s4+s7], $0x40, s6, s7, $0xb8;
	[tilespmem:$0x18400] =	vst v63  }
0x7b: {  	s8 =	rddreg [dreg:$0x11];
	s6 =	simm.s32 $0x14400  }
0x7c: {  	[tilespmem:s6], [sflag:$0x7] =	stream.indirect.gather [hbm4b:s4+s7], $0x40, s8, s7, $0xb8;
	[tilespmem:$0x18400] =	vst v63  }
0x7d: {  	s9 =	rddreg [dreg:$0x12]  }
0x7e: {  	[tilespmem:s16], [sflag:$0x8] =	stream.indirect.gather [hbm4b:s4+s7], $0x40, s9, s7, $0xb8;
	[tilespmem:$0x18400] =	vst v63  }
0x7f: {  	s9 =	simm.s32 $0x1  }
0x80: {  	_ =	swait.ge [sflag:s9], $0x4000  }
0x81: {  	[sflag:s9] =	ssyncset.done $0x0  }
0x82: {  	s8 =	rddreg [dreg:$0x5];
	[sflag:s9] =	ssyncadd.s32 $0xFFFFC000  }
0x83: {  	[hbm4b:s8+s3] =	stream.linear.scatter [tilespmem:s10], [sflag:$0x9], $0x4000, $0x38;
	[tilespmem:$0x18400] =	vst v63  }
0x84: {  	_ =	swait.ge [sflag:s17], $0x2000  }
0x85: {  	[sflag:s17] =	ssyncset.done $0x0  }
0x86: {  	s9 =	rddreg [dreg:$0x6];
	[sflag:s17] =	ssyncadd.s32 $0xFFFFE000  }
0x87: {  	[hbm4b:s9+s18] =	stream.strided.scatter [tilespmem:s14], [sflag:$0xD], $0x2000, s7, s18, $0x38;
	[tilespmem:$0x18400] =	vst v63  }
0x88: {  	_ =	swait.ge [sflag:s19], $0x4000  }
0x89: {  	[sflag:s19] =	ssyncset.done $0x0  }
0x8a: {  	s9 =	rddreg [dreg:$0x7];
	[sflag:s19] =	ssyncadd.s32 $0xFFFFC000  }
0x8b: {  	[hbm4b:s9+s3] =	stream.linear.scatter [tilespmem:s11], [sflag:$0xA], $0x4000, $0x38;
	[tilespmem:$0x18400] =	vst v63  }
0x8c: {  	_ =	swait.ge [sflag:s20], $0x2000  }
0x8d: {  	[sflag:s20] =	ssyncset.done $0x0  }
0x8e: {  	s9 =	rddreg [dreg:$0x8];
	[sflag:s20] =	ssyncadd.s32 $0xFFFFE000  }
0x8f: {  	[hbm4b:s9+s18] =	stream.strided.scatter [tilespmem:s15], [sflag:$0xE], $0x2000, s7, s18, $0x38;
	[tilespmem:$0x18400] =	vst v63  }
0x90: {  	_ =	swait.ge [sflag:s21], $0x4000  }
0x91: {  	[sflag:s21] =	ssyncset.done $0x0  }
0x92: {  	s9 =	rddreg [dreg:$0x9];
	[sflag:s21] =	ssyncadd.s32 $0xFFFFC000  }
0x93: {  	[hbm4b:s9+s3] =	stream.linear.scatter [tilespmem:s12], [sflag:$0xB], $0x4000, $0x38;
	[tilespmem:$0x18400] =	vst v63  }
0x94: {  	_ =	swait.ge [sflag:s22], $0x2000  }
0x95: {  	[sflag:s22] =	ssyncset.done $0x0  }
0x96: {  	s9 =	rddreg [dreg:$0xa];
	[sflag:s22] =	ssyncadd.s32 $0xFFFFE000  }
0x97: {  	[hbm4b:s9+s18] =	stream.strided.scatter [tilespmem:s6], [sflag:$0xF], $0x2000, s7, s18, $0x38;
	[tilespmem:$0x18400] =	vst v63  }
0x98: {  	_ =	swait.ge [sflag:s23], $0x4000  }
0x99: {  	[sflag:s23] =	ssyncset.done $0x0  }
0x9a: {  	s6 =	rddreg [dreg:$0xb];
	[sflag:s23] =	ssyncadd.s32 $0xFFFFC000  }
0x9b: {  	[hbm4b:s6+s3] =	stream.linear.scatter [tilespmem:s13], [sflag:$0xC], $0x4000, $0x38;
	[tilespmem:$0x18400] =	vst v63  }
0x9c: {  	_ =	swait.ge [sflag:s24], $0x2000  }
0x9d: {  	[sflag:s24] =	ssyncset.done $0x0  }
0x9e: {  	s9 =	rddreg [dreg:$0xc];
	[sflag:s24] =	ssyncadd.s32 $0xFFFFE000  }
0x9f: {  	[hbm4b:s9+s18] =	stream.strided.scatter [tilespmem:s16], [sflag:$0x10], $0x2000, s7, s18, $0x38;
	[tilespmem:$0x18400] =	vst v63  }
0xa0: {  	_ =	swait.ge [sflag:s25], $0x4000  }
0xa1: {  	[sflag:s25] =	ssyncset.done $0x0  }
0xa2: {  	[sflag:s25] =	ssyncadd.s32 $0xFFFFC000  }
0xa3: {  	_ =	swait.ge [sflag:s26], $0x2000  }
0xa4: {  	[sflag:s26] =	ssyncset.done $0x0  }
0xa5: {  	[sflag:s26] =	ssyncadd.s32 $0xFFFFE000  }
0xa6: {  	_ =	swait.ge [sflag:s28], $0x4000  }
0xa7: {  	[sflag:s28] =	ssyncset.done $0x0  }
0xa8: {  	[sflag:s28] =	ssyncadd.s32 $0xFFFFC000  }
0xa9: {  	_ =	swait.ge [sflag:s29], $0x2000  }
0xaa: {  	[sflag:s29] =	ssyncset.done $0x0  }
0xab: {  	[sflag:s29] =	ssyncadd.s32 $0xFFFFE000  }
0xac: {  	_ =	swait.ge [sflag:s30], $0x4000  }
0xad: {  	[sflag:s30] =	ssyncset.done $0x0  }
0xae: {  	[sflag:s30] =	ssyncadd.s32 $0xFFFFC000  }
0xaf: {  	_ =	swait.ge [sflag:s31], $0x2000  }
0xb0: {  	[sflag:s31] =	ssyncset.done $0x0  }
0xb1: {  	[sflag:s31] =	ssyncadd.s32 $0xFFFFE000  }
0xb2: {  	p0 =	sne.s32 s5, $0x1;
	_ =	swait.ge [sflag:s0], $0x4000  }
.Ltmp0:
0xb3: {  	[sflag:s0] =	ssyncset.done $0x0;
	(pc) =	sbr.rel @p0 .LBB2_1-.Ltmp0, $4  }
0xb4: {  	[sflag:s0] =	ssyncadd.s32 $0xFFFFC000  }
0xb5: {  	_ =	swait.ge [sflag:s2], $0x2000  }
0xb6: {  	[sflag:s2] =	ssyncset.done $0x0  }
0xb7: {  	s5 =	sadd.s32 $0xFFFFFFFF, s5;
	[sflag:s2] =	ssyncadd.s32 $0xFFFFE000  }
0xb8: {  	_ =	sfence.sel $0x180000  }
0xb9: {  	[bflag:$0x0] =	sbarrier.arrive $0xFFFF  }
0xba: {  	_ =	strace $0x90000047  }
0xbb: {  	s0 =	stileid.u32;
	[bflag:$0x2] =	sbarrier.arrive $0xFFFF  }
0xbc: {  	p0 =	sne.s32 s0, $0x0;
	s0 =	rddreg [dreg:$0x3]  }
0xbd: {  	s0 =	sadd.s32 @!p0 $0x100000, s0  }
0xbe: {  	[sflag:s0] =	ssyncadd.tile.s32 @!p0 $0x1;
	_ =	shalt  }
.Lfunc_end2:
_tile_overlayer_lowered:
.L_overlay_start_2:
0xbf: {  	(tag) =	ssettag $0x2  }
0xc0: {  	s0 =	rddreg [dreg:$0x0];
	s2 =	stileid.u32  }
0xc1: {  	s1 =	rddreg [dreg:$0x1];
	p0 =	sne.s32 s2, $0x0  }
0xc2: {  	s3 =	rddreg [dreg:$0x2];
	[bflag:$0x3] =	sbarrier.arrive $0xFFFF;
	s2 =	simm.s32 @!p0 $0x1C11  }
0xc3: {  	[timem:s3], [sflag:s2] =	dma.local @!p0 [hbm:s0], s1  }
0xc4: {  	s0 =	simm.s32 @!p0 $0x11  }
0xc5: {  	_ =	swait.ge @!p0 [sflag:s0], s1  }
0xc6: {  	s1 =	ssub.s32 @!p0 $0x0, s1;
	[sflag:s0] =	ssyncset.done @!p0 $0x0  }
0xc7: {  	[sflag:s0] =	ssyncadd.s32 @!p0 s1  }
0xc8: {  	[bflag:$0x3] =	sbarrier.arrive $0xFFFF  }
0xc9: {  	_ =	shalt  }

</sc_bundles>
